<compile_context>
chip_gen: v7x
topology: tpu7x:2x2x1
jax: 0.10.2.dev20260603
libtpu: 0.0.44.dev20260713+nightly
codegen_flags: <defaults>
</compile_context>

<pallas_src>
import functools

import jax
import jax.numpy as jnp
from jax import lax
from jax.experimental import pallas as pl
from jax.experimental.pallas import tpu as pltpu
from jax.experimental.pallas import tpu_sc as plsc

NC = 2
NS = 16
NW = NC * NS


def _sc_segment_sum(x, src3, dst3, zer):
    n, d = x.shape
    npad = zer.shape[0] * NS
    _, kblk, blk, chunk = dst3.shape
    rps = npad // NS
    mesh = plsc.VectorSubcoreMesh(core_axis_name="c", subcore_axis_name="s")

    @functools.partial(
        pl.kernel,
        out_type=jax.ShapeDtypeStruct((NC, npad, d), jnp.float32),
        mesh=mesh,
        scratch_types=[
            pltpu.VMEM((blk, chunk), jnp.int32),
            pltpu.VMEM((blk, chunk), jnp.int32),
            pltpu.VMEM((chunk, d), jnp.float32),
            pltpu.VMEM((chunk, d), jnp.float32),
            pltpu.VMEM((chunk, d), jnp.float32),
            pltpu.VMEM_SHARED((npad, d), jnp.float32),
            pltpu.SemaphoreType.DMA,
            pltpu.SemaphoreType.DMA,
            pltpu.SemaphoreType.DMA,
        ],
    )
    def seg_sum(x_hbm, src_hbm, dst_hbm, zer_hbm, out_hbm, src_v, dst_v,
                rows0_v, rows1_v, rows2_v, acc_sh, sem0, sem1, sem2):
        c = lax.axis_index("c")
        s = lax.axis_index("s")
        wid = c * NS + s
        bufs = ((rows0_v, sem0), (rows1_v, sem1), (rows2_v, sem2))
        nbufs = len(bufs)
        pltpu.sync_copy(zer_hbm, acc_sh.at[pl.ds(s * rps, rps)])
        plsc.subcore_barrier()

        @pl.loop(0, kblk)
        def _(j):
            pltpu.sync_copy(src_hbm.at[wid, j], src_v)
            pltpu.sync_copy(dst_hbm.at[wid, j], dst_v)
            gathers = [None] * blk
            for r in range(nbufs - 1):
                buf, sem = bufs[r]
                gathers[r] = pltpu.make_async_copy(
                    x_hbm.at[src_v.at[r]], buf, sem)
                gathers[r].start()
            for r in range(blk):
                buf, _ = bufs[r % nbufs]
                if r + nbufs - 1 < blk:
                    nbuf, nsem = bufs[(r + nbufs - 1) % nbufs]
                    gathers[r + nbufs - 1] = pltpu.make_async_copy(
                        x_hbm.at[src_v.at[r + nbufs - 1]], nbuf, nsem)
                    gathers[r + nbufs - 1].start()
                gathers[r].wait()
                pltpu.sync_copy(buf, acc_sh.at[dst_v.at[r]], add=True)

        plsc.subcore_barrier()
        pltpu.sync_copy(acc_sh.at[pl.ds(s * rps, rps)],
                        out_hbm.at[c, pl.ds(s * rps, rps)])

    return seg_sum(x, src3, dst3, zer)


def _tc_linear(x, parts, w1t, w2t, b2):
    n, d = x.shape
    out = w1t.shape[1]
    bm = 1000

    def lin(x_ref, p_ref, w1_ref, w2_ref, b_ref, o_ref):
        sup = p_ref[0] + p_ref[1]
        acc = jnp.dot(x_ref[...], w1_ref[...], preferred_element_type=jnp.float32)
        acc += jnp.dot(sup, w2_ref[...], preferred_element_type=jnp.float32)
        o_ref[...] = jnp.maximum(acc + b_ref[...], 0.0)

    return pl.pallas_call(
        lin,
        grid=(n // bm,),
        in_specs=[
            pl.BlockSpec((bm, d), lambda i: (i, 0)),
            pl.BlockSpec((NC, bm, d), lambda i: (0, i, 0)),
            pl.BlockSpec((d, out), lambda i: (0, 0)),
            pl.BlockSpec((d, out), lambda i: (0, 0)),
            pl.BlockSpec((1, out), lambda i: (0, 0)),
        ],
        out_specs=pl.BlockSpec((bm, out), lambda i: (i, 0)),
        out_shape=jax.ShapeDtypeStruct((n, out), jnp.float32),
    )(x, parts, w1t, w2t, b2)


def kernel(x, edge_index, W, b):
    n, d = x.shape
    e = edge_index.shape[1]
    epw = e // NW
    chunk = 100
    blk = 20
    kblk = epw // (blk * chunk)

    ei = edge_index.astype(jnp.int32)
    src3 = ei[0].reshape(NW, kblk, blk, chunk)
    dst3 = ei[1].reshape(NW, kblk, blk, chunk)
    rps = -(-n // (NS * 8)) * 8
    zer = jnp.zeros((rps, d), jnp.float32)

    parts = _sc_segment_sum(x, src3, dst3, zer)
    return parts
    wt = W.T
    w1t = wt[:d]
    w2t = wt[d:]
    b2 = b.reshape(1, -1)
    return _tc_linear(x, parts, w1t, w2t, b2)

# --- scband reference (transcript-rebuilt; emitter-appended) ---
"""Pipeline reference for scband-graph-sageconvolution-86268713107475 (READ-ONLY COPY).

The authoritative reference and input builder live on the scoring server;
editing this copy changes nothing except your own understanding.
"""

import jax, jax.numpy as jnp
import numpy as np

N = 10000
E = 320000
D = 128
OUT = 128

def setup_inputs(seed: int = 0) -> dict:
    key = jax.random.key(seed)
    k1, k2, k3, k4 = jax.random.split(key, 4)
    x = jax.random.normal(k1, (N, D), dtype=jnp.float32)
    edge_index = jax.random.randint(k2, (2, E), 0, N)
    # Learned params of nn.Linear(in_features*2, out_features, bias=True)
    fan_in = 2 * D
    bound = 1.0 / np.sqrt(fan_in)
    W = jax.random.uniform(k3, (OUT, 2 * D), minval=-bound, maxval=bound, dtype=jnp.float32)
    b = jax.random.uniform(k4, (OUT,), minval=-bound, maxval=bound, dtype=jnp.float32)
    return {"x": x, "edge_index": edge_index, "W": W, "b": b}


def reference(x, edge_index, W, b):
    # adj is a sparse [N, N] matrix with 1.0 at (edge_index[1, e], edge_index[0, e]).
    # torch.sparse.mm(adj, x) == sum of source-node features scattered to dst rows.
    src = edge_index[0]
    dst = edge_index[1]
    support = jax.ops.segment_sum(jnp.take(x, src, axis=0), dst, num_segments=x.shape[0])
    h = jnp.concatenate((x, support), axis=1)
    out = h @ W.T + b
    # dropout p=0.0 (and eval mode) is identity; act is relu
    return jax.nn.relu(out)

if __name__ == "__main__":
    import jax
    _d = setup_inputs()
    print(jax.jit(kernel)(*tuple(_d.values())))

</pallas_src>

<mosaic_0001>
#map = affine_map<(d0, d1) -> (0, 0)>
#map1 = affine_map<(d0, d1) -> (0, 0, 0, 0)>
#map2 = affine_map<(d0, d1) -> (0, 0, 0)>
module attributes {stable_mosaic.version = 14 : i64} {
  func.func @seg_sum(%arg0: i32, %arg1: i32, %arg2: memref<10000x128xf32, #tpu.memory_space<hbm>>, %arg3: memref<32x5x20x100xi32, #tpu.memory_space<hbm>>, %arg4: memref<32x5x20x100xi32, #tpu.memory_space<hbm>>, %arg5: memref<632x128xf32, #tpu.memory_space<hbm>>, %arg6: memref<2x10112x128xf32, #tpu.memory_space<hbm>>, %arg7: memref<20x100xi32, #tpu.memory_space<vmem>>, %arg8: memref<20x100xi32, #tpu.memory_space<vmem>>, %arg9: memref<100x128xf32, #tpu.memory_space<vmem>>, %arg10: memref<100x128xf32, #tpu.memory_space<vmem>>, %arg11: memref<100x128xf32, #tpu.memory_space<vmem>>, %arg12: memref<10112x128xf32, #tpu.memory_space<vmem_shared>>, %arg13: memref<!tpu.dma_semaphore, #tpu.memory_space<semaphore_mem>>, %arg14: memref<!tpu.dma_semaphore, #tpu.memory_space<semaphore_mem>>, %arg15: memref<!tpu.dma_semaphore, #tpu.memory_space<semaphore_mem>>) attributes {dimension_semantics = [#tpu.dimension_semantics<core_parallel>, #tpu.dimension_semantics<subcore_parallel>], iteration_bounds = array<i64: 2, 16>, scalar_prefetch = 0 : i64, scratch_operands = 9 : i64, tpu.core_type = #tpu.core_type<sc_vector_subcore>, window_params = [{transform_indices = #map}, {transform_indices = #map1}, {transform_indices = #map1}, {transform_indices = #map}, {transform_indices = #map2}]} {
    %mul3A = arith.constant 16 : i32
    %mul3A_0 = arith.muli %arg0, %mul3A : i32
    %add3A = arith.addi %mul3A_0, %arg1 : i32
    %mul3A_1 = arith.constant 632 : i32
    %mul3A_2 = arith.muli %arg1, %mul3A_1 : i32
    "tpu.region"() ({
      %run_scoped3A = tpu.sem_alloc : memref<!tpu.dma_semaphore, #tpu.memory_space<semaphore_mem>>
      %dma_start3A = arith.constant 0 : i32
      %dma_start3A_12 = tpu.memref_slice %arg12[%mul3A_2, %dma_start3A] : memref<10112x128xf32, #tpu.memory_space<vmem_shared>> -> memref<632x128xf32, #tpu.memory_space<vmem_shared>>
      tpu.enqueue_dma source(%arg5 : memref<632x128xf32, #tpu.memory_space<hbm>>) target(%dma_start3A_12 : memref<632x128xf32, #tpu.memory_space<vmem_shared>>) target_semaphore(%run_scoped3A : memref<!tpu.dma_semaphore, #tpu.memory_space<semaphore_mem>>)
      %dma_wait3A = arith.constant 0 : i32
      %dma_wait3A_13 = tpu.memref_slice %arg12[%mul3A_2, %dma_wait3A] : memref<10112x128xf32, #tpu.memory_space<vmem_shared>> -> memref<632x128xf32, #tpu.memory_space<vmem_shared>>
      tpu.wait_dma2 semaphore(%run_scoped3A : memref<!tpu.dma_semaphore, #tpu.memory_space<semaphore_mem>>) src(%arg5 : memref<632x128xf32, #tpu.memory_space<hbm>>) dst(%dma_wait3A_13 : memref<632x128xf32, #tpu.memory_space<vmem_shared>>)
      tpu.yield
    }) : () -> ()
    %barrier3A = arith.constant 0 : index
    tpu.barrier barrier_id(%barrier3A)
    %scan3A = arith.constant 0 : i32
    %scan3A_3 = arith.constant 5 : i32
    %scan3A_4 = arith.addi %scan3A, %scan3A_3 : i32
    %scan3A_5 = arith.constant 1 : i32
    scf.for %scan3A_12 = %scan3A to %scan3A_4 step %scan3A_5  : i32 {
      %mul3A_13 = arith.constant 1 : i32
      %mul3A_14 = arith.muli %scan3A_12, %mul3A_13 : i32
      %add3A_15 = arith.constant 0 : i32
      %add3A_16 = arith.addi %add3A_15, %mul3A_14 : i32
      "tpu.region"() ({
        %run_scoped3A_314 = tpu.sem_alloc : memref<!tpu.dma_semaphore, #tpu.memory_space<semaphore_mem>>
        %dma_start3A_315 = arith.constant 0 : i32
        %dma_start3A_316 = arith.constant 0 : i32
        %dma_start3A_317 = tpu.memref_slice %arg3[%add3A, %add3A_16, %dma_start3A_315, %dma_start3A_316] : memref<32x5x20x100xi32, #tpu.memory_space<hbm>> -> memref<1x1x20x100xi32, #tpu.memory_space<hbm>>
        %dma_start3A_318 = tpu.memref_squeeze %dma_start3A_317 : memref<1x1x20x100xi32, #tpu.memory_space<hbm>> -> memref<20x100xi32, #tpu.memory_space<hbm>>
        %dma_start3A_319 = arith.constant 0 : i32
        %dma_start3A_320 = arith.constant 0 : i32
        %dma_start3A_321 = tpu.memref_slice %arg3[%add3A, %add3A_16, %dma_start3A_319, %dma_start3A_320] : memref<32x5x20x100xi32, #tpu.memory_space<hbm>> -> memref<1x1x20x100xi32, #tpu.memory_space<hbm>>
        %dma_start3A_322 = tpu.memref_squeeze %dma_start3A_321 : memref<1x1x20x100xi32, #tpu.memory_space<hbm>> -> memref<20x100xi32, #tpu.memory_space<hbm>>
        tpu.enqueue_dma source(%dma_start3A_322 : memref<20x100xi32, #tpu.memory_space<hbm>>) target(%arg7 : memref<20x100xi32, #tpu.memory_space<vmem>>) target_semaphore(%run_scoped3A_314 : memref<!tpu.dma_semaphore, #tpu.memory_space<semaphore_mem>>)
        %dma_wait3A_323 = arith.constant 0 : i32
        %dma_wait3A_324 = arith.constant 0 : i32
        %dma_wait3A_325 = tpu.memref_slice %arg3[%add3A, %add3A_16, %dma_wait3A_323, %dma_wait3A_324] : memref<32x5x20x100xi32, #tpu.memory_space<hbm>> -> memref<1x1x20x100xi32, #tpu.memory_space<hbm>>
        %dma_wait3A_326 = tpu.memref_squeeze %dma_wait3A_325 : memref<1x1x20x100xi32, #tpu.memory_space<hbm>> -> memref<20x100xi32, #tpu.memory_space<hbm>>
        %dma_wait3A_327 = arith.constant 0 : i32
        %dma_wait3A_328 = arith.constant 0 : i32
        %dma_wait3A_329 = tpu.memref_slice %arg3[%add3A, %add3A_16, %dma_wait3A_327, %dma_wait3A_328] : memref<32x5x20x100xi32, #tpu.memory_space<hbm>> -> memref<1x1x20x100xi32, #tpu.memory_space<hbm>>
        %dma_wait3A_330 = tpu.memref_squeeze %dma_wait3A_329 : memref<1x1x20x100xi32, #tpu.memory_space<hbm>> -> memref<20x100xi32, #tpu.memory_space<hbm>>
        tpu.wait_dma2 semaphore(%run_scoped3A_314 : memref<!tpu.dma_semaphore, #tpu.memory_space<semaphore_mem>>) src(%dma_wait3A_330 : memref<20x100xi32, #tpu.memory_space<hbm>>) dst(%arg7 : memref<20x100xi32, #tpu.memory_space<vmem>>)
        tpu.yield
      }) : () -> ()
      "tpu.region"() ({
        %run_scoped3A_314 = tpu.sem_alloc : memref<!tpu.dma_semaphore, #tpu.memory_space<semaphore_mem>>
        %dma_start3A_315 = arith.constant 0 : i32
        %dma_start3A_316 = arith.constant 0 : i32
        %dma_start3A_317 = tpu.memref_slice %arg4[%add3A, %add3A_16, %dma_start3A_315, %dma_start3A_316] : memref<32x5x20x100xi32, #tpu.memory_space<hbm>> -> memref<1x1x20x100xi32, #tpu.memory_space<hbm>>
        %dma_start3A_318 = tpu.memref_squeeze %dma_start3A_317 : memref<1x1x20x100xi32, #tpu.memory_space<hbm>> -> memref<20x100xi32, #tpu.memory_space<hbm>>
        %dma_start3A_319 = arith.constant 0 : i32
        %dma_start3A_320 = arith.constant 0 : i32
        %dma_start3A_321 = tpu.memref_slice %arg4[%add3A, %add3A_16, %dma_start3A_319, %dma_start3A_320] : memref<32x5x20x100xi32, #tpu.memory_space<hbm>> -> memref<1x1x20x100xi32, #tpu.memory_space<hbm>>
        %dma_start3A_322 = tpu.memref_squeeze %dma_start3A_321 : memref<1x1x20x100xi32, #tpu.memory_space<hbm>> -> memref<20x100xi32, #tpu.memory_space<hbm>>
        tpu.enqueue_dma source(%dma_start3A_322 : memref<20x100xi32, #tpu.memory_space<hbm>>) target(%arg8 : memref<20x100xi32, #tpu.memory_space<vmem>>) target_semaphore(%run_scoped3A_314 : memref<!tpu.dma_semaphore, #tpu.memory_space<semaphore_mem>>)
        %dma_wait3A_323 = arith.constant 0 : i32
        %dma_wait3A_324 = arith.constant 0 : i32
        %dma_wait3A_325 = tpu.memref_slice %arg4[%add3A, %add3A_16, %dma_wait3A_323, %dma_wait3A_324] : memref<32x5x20x100xi32, #tpu.memory_space<hbm>> -> memref<1x1x20x100xi32, #tpu.memory_space<hbm>>
        %dma_wait3A_326 = tpu.memref_squeeze %dma_wait3A_325 : memref<1x1x20x100xi32, #tpu.memory_space<hbm>> -> memref<20x100xi32, #tpu.memory_space<hbm>>
        %dma_wait3A_327 = arith.constant 0 : i32
        %dma_wait3A_328 = arith.constant 0 : i32
        %dma_wait3A_329 = tpu.memref_slice %arg4[%add3A, %add3A_16, %dma_wait3A_327, %dma_wait3A_328] : memref<32x5x20x100xi32, #tpu.memory_space<hbm>> -> memref<1x1x20x100xi32, #tpu.memory_space<hbm>>
        %dma_wait3A_330 = tpu.memref_squeeze %dma_wait3A_329 : memref<1x1x20x100xi32, #tpu.memory_space<hbm>> -> memref<20x100xi32, #tpu.memory_space<hbm>>
        tpu.wait_dma2 semaphore(%run_scoped3A_314 : memref<!tpu.dma_semaphore, #tpu.memory_space<semaphore_mem>>) src(%dma_wait3A_330 : memref<20x100xi32, #tpu.memory_space<hbm>>) dst(%arg8 : memref<20x100xi32, #tpu.memory_space<vmem>>)
        tpu.yield
      }) : () -> ()
      %dma_start3A = arith.constant 0 : i32
      %dma_start3A_17 = arith.constant 0 : i32
      %dma_start3A_18 = tpu.memref_slice %arg7[%dma_start3A, %dma_start3A_17] : memref<20x100xi32, #tpu.memory_space<vmem>> -> memref<1x100xi32, #tpu.memory_space<vmem>>
      %dma_start3A_19 = tpu.memref_squeeze %dma_start3A_18 : memref<1x100xi32, #tpu.memory_space<vmem>> -> memref<100xi32, #tpu.memory_space<vmem>>
      %dma_start3A_20 = arith.constant 0 : i32
      %dma_start3A_21 = arith.constant 0 : i32
      %dma_start3A_22 = tpu.memref_slice %arg2[%dma_start3A_20, %dma_start3A_21] : memref<10000x128xf32, #tpu.memory_space<hbm>> -> memref<10000x128xf32, #tpu.memory_space<hbm>>
      tpu.enqueue_indirect_dma source(%dma_start3A_22 : memref<10000x128xf32, #tpu.memory_space<hbm>>) target(%arg9 : memref<100x128xf32, #tpu.memory_space<vmem>>) offsets(%dma_start3A_19 : memref<100xi32, #tpu.memory_space<vmem>>) semaphore(%arg13 : memref<!tpu.dma_semaphore, #tpu.memory_space<semaphore_mem>>)
      %dma_start3A_23 = arith.constant 1 : i32
      %dma_start3A_24 = arith.constant 0 : i32
      %dma_start3A_25 = tpu.memref_slice %arg7[%dma_start3A_23, %dma_start3A_24] : memref<20x100xi32, #tpu.memory_space<vmem>> -> memref<1x100xi32, #tpu.memory_space<vmem>>
      %dma_start3A_26 = tpu.memref_squeeze %dma_start3A_25 : memref<1x100xi32, #tpu.memory_space<vmem>> -> memref<100xi32, #tpu.memory_space<vmem>>
      %dma_start3A_27 = arith.constant 0 : i32
      %dma_start3A_28 = arith.constant 0 : i32
      %dma_start3A_29 = tpu.memref_slice %arg2[%dma_start3A_27, %dma_start3A_28] : memref<10000x128xf32, #tpu.memory_space<hbm>> -> memref<10000x128xf32, #tpu.memory_space<hbm>>
      tpu.enqueue_indirect_dma source(%dma_start3A_29 : memref<10000x128xf32, #tpu.memory_space<hbm>>) target(%arg10 : memref<100x128xf32, #tpu.memory_space<vmem>>) offsets(%dma_start3A_26 : memref<100xi32, #tpu.memory_space<vmem>>) semaphore(%arg14 : memref<!tpu.dma_semaphore, #tpu.memory_space<semaphore_mem>>)
      %dma_start3A_30 = arith.constant 2 : i32
      %dma_start3A_31 = arith.constant 0 : i32
      %dma_start3A_32 = tpu.memref_slice %arg7[%dma_start3A_30, %dma_start3A_31] : memref<20x100xi32, #tpu.memory_space<vmem>> -> memref<1x100xi32, #tpu.memory_space<vmem>>
      %dma_start3A_33 = tpu.memref_squeeze %dma_start3A_32 : memref<1x100xi32, #tpu.memory_space<vmem>> -> memref<100xi32, #tpu.memory_space<vmem>>
      %dma_start3A_34 = arith.constant 0 : i32
      %dma_start3A_35 = arith.constant 0 : i32
      %dma_start3A_36 = tpu.memref_slice %arg2[%dma_start3A_34, %dma_start3A_35] : memref<10000x128xf32, #tpu.memory_space<hbm>> -> memref<10000x128xf32, #tpu.memory_space<hbm>>
      tpu.enqueue_indirect_dma source(%dma_start3A_36 : memref<10000x128xf32, #tpu.memory_space<hbm>>) target(%arg11 : memref<100x128xf32, #tpu.memory_space<vmem>>) offsets(%dma_start3A_33 : memref<100xi32, #tpu.memory_space<vmem>>) semaphore(%arg15 : memref<!tpu.dma_semaphore, #tpu.memory_space<semaphore_mem>>)
      %dma_wait3A = arith.constant 0 : i32
      %dma_wait3A_37 = arith.constant 0 : i32
      %dma_wait3A_38 = tpu.memref_slice %arg7[%dma_wait3A, %dma_wait3A_37] : memref<20x100xi32, #tpu.memory_space<vmem>> -> memref<1x100xi32, #tpu.memory_space<vmem>>
      %dma_wait3A_39 = tpu.memref_squeeze %dma_wait3A_38 : memref<1x100xi32, #tpu.memory_space<vmem>> -> memref<100xi32, #tpu.memory_space<vmem>>
      %dma_wait3A_40 = arith.constant 0 : i32
      %dma_wait3A_41 = arith.constant 0 : i32
      %dma_wait3A_42 = tpu.memref_slice %arg2[%dma_wait3A_40, %dma_wait3A_41] : memref<10000x128xf32, #tpu.memory_space<hbm>> -> memref<10000x128xf32, #tpu.memory_space<hbm>>
      tpu.wait_indirect_dma semaphore(%arg13 : memref<!tpu.dma_semaphore, #tpu.memory_space<semaphore_mem>>) src(%dma_wait3A_42 : memref<10000x128xf32, #tpu.memory_space<hbm>>) dst(%arg9 : memref<100x128xf32, #tpu.memory_space<vmem>>)
      %run_scoped3A = arith.constant 0 : i32
      "tpu.region"() ({
        %run_scoped3A_314 = tpu.sem_alloc : memref<!tpu.dma_semaphore, #tpu.memory_space<semaphore_mem>>
        %dma_start3A_315 = arith.constant 0 : i32
        %dma_start3A_316 = tpu.memref_slice %arg8[%run_scoped3A, %dma_start3A_315] : memref<20x100xi32, #tpu.memory_space<vmem>> -> memref<1x100xi32, #tpu.memory_space<vmem>>
        %dma_start3A_317 = tpu.memref_squeeze %dma_start3A_316 : memref<1x100xi32, #tpu.memory_space<vmem>> -> memref<100xi32, #tpu.memory_space<vmem>>
        %dma_start3A_318 = arith.constant 0 : i32
        %dma_start3A_319 = arith.constant 0 : i32
        %dma_start3A_320 = tpu.memref_slice %arg12[%dma_start3A_318, %dma_start3A_319] : memref<10112x128xf32, #tpu.memory_space<vmem_shared>> -> memref<10112x128xf32, #tpu.memory_space<vmem_shared>>
        tpu.enqueue_indirect_dma source(%arg9 : memref<100x128xf32, #tpu.memory_space<vmem>>) target(%dma_start3A_320 : memref<10112x128xf32, #tpu.memory_space<vmem_shared>>) offsets(%dma_start3A_317 : memref<100xi32, #tpu.memory_space<vmem>>) semaphore(%run_scoped3A_314 : memref<!tpu.dma_semaphore, #tpu.memory_space<semaphore_mem>>) {add = true}
        %dma_wait3A_321 = arith.constant 0 : i32
        %dma_wait3A_322 = tpu.memref_slice %arg8[%run_scoped3A, %dma_wait3A_321] : memref<20x100xi32, #tpu.memory_space<vmem>> -> memref<1x100xi32, #tpu.memory_space<vmem>>
        %dma_wait3A_323 = tpu.memref_squeeze %dma_wait3A_322 : memref<1x100xi32, #tpu.memory_space<vmem>> -> memref<100xi32, #tpu.memory_space<vmem>>
        %dma_wait3A_324 = arith.constant 0 : i32
        %dma_wait3A_325 = arith.constant 0 : i32
        %dma_wait3A_326 = tpu.memref_slice %arg12[%dma_wait3A_324, %dma_wait3A_325] : memref<10112x128xf32, #tpu.memory_space<vmem_shared>> -> memref<10112x128xf32, #tpu.memory_space<vmem_shared>>
        tpu.wait_indirect_dma semaphore(%run_scoped3A_314 : memref<!tpu.dma_semaphore, #tpu.memory_space<semaphore_mem>>) src(%arg9 : memref<100x128xf32, #tpu.memory_space<vmem>>) dst(%dma_wait3A_326 : memref<10112x128xf32, #tpu.memory_space<vmem_shared>>)
        tpu.yield
      }) : () -> ()
      %dma_start3A_43 = arith.constant 3 : i32
      %dma_start3A_44 = arith.constant 0 : i32
      %dma_start3A_45 = tpu.memref_slice %arg7[%dma_start3A_43, %dma_start3A_44] : memref<20x100xi32, #tpu.memory_space<vmem>> -> memref<1x100xi32, #tpu.memory_space<vmem>>
      %dma_start3A_46 = tpu.memref_squeeze %dma_start3A_45 : memref<1x100xi32, #tpu.memory_space<vmem>> -> memref<100xi32, #tpu.memory_space<vmem>>
      %dma_start3A_47 = arith.constant 0 : i32
      %dma_start3A_48 = arith.constant 0 : i32
      %dma_start3A_49 = tpu.memref_slice %arg2[%dma_start3A_47, %dma_start3A_48] : memref<10000x128xf32, #tpu.memory_space<hbm>> -> memref<10000x128xf32, #tpu.memory_space<hbm>>
      tpu.enqueue_indirect_dma source(%dma_start3A_49 : memref<10000x128xf32, #tpu.memory_space<hbm>>) target(%arg9 : memref<100x128xf32, #tpu.memory_space<vmem>>) offsets(%dma_start3A_46 : memref<100xi32, #tpu.memory_space<vmem>>) semaphore(%arg13 : memref<!tpu.dma_semaphore, #tpu.memory_space<semaphore_mem>>)
      %dma_wait3A_50 = arith.constant 1 : i32
      %dma_wait3A_51 = arith.constant 0 : i32
      %dma_wait3A_52 = tpu.memref_slice %arg7[%dma_wait3A_50, %dma_wait3A_51] : memref<20x100xi32, #tpu.memory_space<vmem>> -> memref<1x100xi32, #tpu.memory_space<vmem>>
      %dma_wait3A_53 = tpu.memref_squeeze %dma_wait3A_52 : memref<1x100xi32, #tpu.memory_space<vmem>> -> memref<100xi32, #tpu.memory_space<vmem>>
      %dma_wait3A_54 = arith.constant 0 : i32
      %dma_wait3A_55 = arith.constant 0 : i32
      %dma_wait3A_56 = tpu.memref_slice %arg2[%dma_wait3A_54, %dma_wait3A_55] : memref<10000x128xf32, #tpu.memory_space<hbm>> -> memref<10000x128xf32, #tpu.memory_space<hbm>>
      tpu.wait_indirect_dma semaphore(%arg14 : memref<!tpu.dma_semaphore, #tpu.memory_space<semaphore_mem>>) src(%dma_wait3A_56 : memref<10000x128xf32, #tpu.memory_space<hbm>>) dst(%arg10 : memref<100x128xf32, #tpu.memory_space<vmem>>)
      %run_scoped3A_57 = arith.constant 1 : i32
      "tpu.region"() ({
        %run_scoped3A_314 = tpu.sem_alloc : memref<!tpu.dma_semaphore, #tpu.memory_space<semaphore_mem>>
        %dma_start3A_315 = arith.constant 0 : i32
        %dma_start3A_316 = tpu.memref_slice %arg8[%run_scoped3A_57, %dma_start3A_315] : memref<20x100xi32, #tpu.memory_space<vmem>> -> memref<1x100xi32, #tpu.memory_space<vmem>>
        %dma_start3A_317 = tpu.memref_squeeze %dma_start3A_316 : memref<1x100xi32, #tpu.memory_space<vmem>> -> memref<100xi32, #tpu.memory_space<vmem>>
        %dma_start3A_318 = arith.constant 0 : i32
        %dma_start3A_319 = arith.constant 0 : i32
        %dma_start3A_320 = tpu.memref_slice %arg12[%dma_start3A_318, %dma_start3A_319] : memref<10112x128xf32, #tpu.memory_space<vmem_shared>> -> memref<10112x128xf32, #tpu.memory_space<vmem_shared>>
        tpu.enqueue_indirect_dma source(%arg10 : memref<100x128xf32, #tpu.memory_space<vmem>>) target(%dma_start3A_320 : memref<10112x128xf32, #tpu.memory_space<vmem_shared>>) offsets(%dma_start3A_317 : memref<100xi32, #tpu.memory_space<vmem>>) semaphore(%run_scoped3A_314 : memref<!tpu.dma_semaphore, #tpu.memory_space<semaphore_mem>>) {add = true}
        %dma_wait3A_321 = arith.constant 0 : i32
        %dma_wait3A_322 = tpu.memref_slice %arg8[%run_scoped3A_57, %dma_wait3A_321] : memref<20x100xi32, #tpu.memory_space<vmem>> -> memref<1x100xi32, #tpu.memory_space<vmem>>
        %dma_wait3A_323 = tpu.memref_squeeze %dma_wait3A_322 : memref<1x100xi32, #tpu.memory_space<vmem>> -> memref<100xi32, #tpu.memory_space<vmem>>
        %dma_wait3A_324 = arith.constant 0 : i32
        %dma_wait3A_325 = arith.constant 0 : i32
        %dma_wait3A_326 = tpu.memref_slice %arg12[%dma_wait3A_324, %dma_wait3A_325] : memref<10112x128xf32, #tpu.memory_space<vmem_shared>> -> memref<10112x128xf32, #tpu.memory_space<vmem_shared>>
        tpu.wait_indirect_dma semaphore(%run_scoped3A_314 : memref<!tpu.dma_semaphore, #tpu.memory_space<semaphore_mem>>) src(%arg10 : memref<100x128xf32, #tpu.memory_space<vmem>>) dst(%dma_wait3A_326 : memref<10112x128xf32, #tpu.memory_space<vmem_shared>>)
        tpu.yield
      }) : () -> ()
      %dma_start3A_58 = arith.constant 4 : i32
      %dma_start3A_59 = arith.constant 0 : i32
      %dma_start3A_60 = tpu.memref_slice %arg7[%dma_start3A_58, %dma_start3A_59] : memref<20x100xi32, #tpu.memory_space<vmem>> -> memref<1x100xi32, #tpu.memory_space<vmem>>
      %dma_start3A_61 = tpu.memref_squeeze %dma_start3A_60 : memref<1x100xi32, #tpu.memory_space<vmem>> -> memref<100xi32, #tpu.memory_space<vmem>>
      %dma_start3A_62 = arith.constant 0 : i32
      %dma_start3A_63 = arith.constant 0 : i32
      %dma_start3A_64 = tpu.memref_slice %arg2[%dma_start3A_62, %dma_start3A_63] : memref<10000x128xf32, #tpu.memory_space<hbm>> -> memref<10000x128xf32, #tpu.memory_space<hbm>>
      tpu.enqueue_indirect_dma source(%dma_start3A_64 : memref<10000x128xf32, #tpu.memory_space<hbm>>) target(%arg10 : memref<100x128xf32, #tpu.memory_space<vmem>>) offsets(%dma_start3A_61 : memref<100xi32, #tpu.memory_space<vmem>>) semaphore(%arg14 : memref<!tpu.dma_semaphore, #tpu.memory_space<semaphore_mem>>)
      %dma_wait3A_65 = arith.constant 2 : i32
      %dma_wait3A_66 = arith.constant 0 : i32
      %dma_wait3A_67 = tpu.memref_slice %arg7[%dma_wait3A_65, %dma_wait3A_66] : memref<20x100xi32, #tpu.memory_space<vmem>> -> memref<1x100xi32, #tpu.memory_space<vmem>>
      %dma_wait3A_68 = tpu.memref_squeeze %dma_wait3A_67 : memref<1x100xi32, #tpu.memory_space<vmem>> -> memref<100xi32, #tpu.memory_space<vmem>>
      %dma_wait3A_69 = arith.constant 0 : i32
      %dma_wait3A_70 = arith.constant 0 : i32
      %dma_wait3A_71 = tpu.memref_slice %arg2[%dma_wait3A_69, %dma_wait3A_70] : memref<10000x128xf32, #tpu.memory_space<hbm>> -> memref<10000x128xf32, #tpu.memory_space<hbm>>
      tpu.wait_indirect_dma semaphore(%arg15 : memref<!tpu.dma_semaphore, #tpu.memory_space<semaphore_mem>>) src(%dma_wait3A_71 : memref<10000x128xf32, #tpu.memory_space<hbm>>) dst(%arg11 : memref<100x128xf32, #tpu.memory_space<vmem>>)
      %run_scoped3A_72 = arith.constant 2 : i32
      "tpu.region"() ({
        %run_scoped3A_314 = tpu.sem_alloc : memref<!tpu.dma_semaphore, #tpu.memory_space<semaphore_mem>>
        %dma_start3A_315 = arith.constant 0 : i32
        %dma_start3A_316 = tpu.memref_slice %arg8[%run_scoped3A_72, %dma_start3A_315] : memref<20x100xi32, #tpu.memory_space<vmem>> -> memref<1x100xi32, #tpu.memory_space<vmem>>
        %dma_start3A_317 = tpu.memref_squeeze %dma_start3A_316 : memref<1x100xi32, #tpu.memory_space<vmem>> -> memref<100xi32, #tpu.memory_space<vmem>>
        %dma_start3A_318 = arith.constant 0 : i32
        %dma_start3A_319 = arith.constant 0 : i32
        %dma_start3A_320 = tpu.memref_slice %arg12[%dma_start3A_318, %dma_start3A_319] : memref<10112x128xf32, #tpu.memory_space<vmem_shared>> -> memref<10112x128xf32, #tpu.memory_space<vmem_shared>>
        tpu.enqueue_indirect_dma source(%arg11 : memref<100x128xf32, #tpu.memory_space<vmem>>) target(%dma_start3A_320 : memref<10112x128xf32, #tpu.memory_space<vmem_shared>>) offsets(%dma_start3A_317 : memref<100xi32, #tpu.memory_space<vmem>>) semaphore(%run_scoped3A_314 : memref<!tpu.dma_semaphore, #tpu.memory_space<semaphore_mem>>) {add = true}
        %dma_wait3A_321 = arith.constant 0 : i32
        %dma_wait3A_322 = tpu.memref_slice %arg8[%run_scoped3A_72, %dma_wait3A_321] : memref<20x100xi32, #tpu.memory_space<vmem>> -> memref<1x100xi32, #tpu.memory_space<vmem>>
        %dma_wait3A_323 = tpu.memref_squeeze %dma_wait3A_322 : memref<1x100xi32, #tpu.memory_space<vmem>> -> memref<100xi32, #tpu.memory_space<vmem>>
        %dma_wait3A_324 = arith.constant 0 : i32
        %dma_wait3A_325 = arith.constant 0 : i32
        %dma_wait3A_326 = tpu.memref_slice %arg12[%dma_wait3A_324, %dma_wait3A_325] : memref<10112x128xf32, #tpu.memory_space<vmem_shared>> -> memref<10112x128xf32, #tpu.memory_space<vmem_shared>>
        tpu.wait_indirect_dma semaphore(%run_scoped3A_314 : memref<!tpu.dma_semaphore, #tpu.memory_space<semaphore_mem>>) src(%arg11 : memref<100x128xf32, #tpu.memory_space<vmem>>) dst(%dma_wait3A_326 : memref<10112x128xf32, #tpu.memory_space<vmem_shared>>)
        tpu.yield
      }) : () -> ()
      %dma_start3A_73 = arith.constant 5 : i32
      %dma_start3A_74 = arith.constant 0 : i32
      %dma_start3A_75 = tpu.memref_slice %arg7[%dma_start3A_73, %dma_start3A_74] : memref<20x100xi32, #tpu.memory_space<vmem>> -> memref<1x100xi32, #tpu.memory_space<vmem>>
      %dma_start3A_76 = tpu.memref_squeeze %dma_start3A_75 : memref<1x100xi32, #tpu.memory_space<vmem>> -> memref<100xi32, #tpu.memory_space<vmem>>
      %dma_start3A_77 = arith.constant 0 : i32
      %dma_start3A_78 = arith.constant 0 : i32
      %dma_start3A_79 = tpu.memref_slice %arg2[%dma_start3A_77, %dma_start3A_78] : memref<10000x128xf32, #tpu.memory_space<hbm>> -> memref<10000x128xf32, #tpu.memory_space<hbm>>
      tpu.enqueue_indirect_dma source(%dma_start3A_79 : memref<10000x128xf32, #tpu.memory_space<hbm>>) target(%arg11 : memref<100x128xf32, #tpu.memory_space<vmem>>) offsets(%dma_start3A_76 : memref<100xi32, #tpu.memory_space<vmem>>) semaphore(%arg15 : memref<!tpu.dma_semaphore, #tpu.memory_space<semaphore_mem>>)
      %dma_wait3A_80 = arith.constant 3 : i32
      %dma_wait3A_81 = arith.constant 0 : i32
      %dma_wait3A_82 = tpu.memref_slice %arg7[%dma_wait3A_80, %dma_wait3A_81] : memref<20x100xi32, #tpu.memory_space<vmem>> -> memref<1x100xi32, #tpu.memory_space<vmem>>
      %dma_wait3A_83 = tpu.memref_squeeze %dma_wait3A_82 : memref<1x100xi32, #tpu.memory_space<vmem>> -> memref<100xi32, #tpu.memory_space<vmem>>
      %dma_wait3A_84 = arith.constant 0 : i32
      %dma_wait3A_85 = arith.constant 0 : i32
      %dma_wait3A_86 = tpu.memref_slice %arg2[%dma_wait3A_84, %dma_wait3A_85] : memref<10000x128xf32, #tpu.memory_space<hbm>> -> memref<10000x128xf32, #tpu.memory_space<hbm>>
      tpu.wait_indirect_dma semaphore(%arg13 : memref<!tpu.dma_semaphore, #tpu.memory_space<semaphore_mem>>) src(%dma_wait3A_86 : memref<10000x128xf32, #tpu.memory_space<hbm>>) dst(%arg9 : memref<100x128xf32, #tpu.memory_space<vmem>>)
      %run_scoped3A_87 = arith.constant 3 : i32
      "tpu.region"() ({
        %run_scoped3A_314 = tpu.sem_alloc : memref<!tpu.dma_semaphore, #tpu.memory_space<semaphore_mem>>
        %dma_start3A_315 = arith.constant 0 : i32
        %dma_start3A_316 = tpu.memref_slice %arg8[%run_scoped3A_87, %dma_start3A_315] : memref<20x100xi32, #tpu.memory_space<vmem>> -> memref<1x100xi32, #tpu.memory_space<vmem>>
        %dma_start3A_317 = tpu.memref_squeeze %dma_start3A_316 : memref<1x100xi32, #tpu.memory_space<vmem>> -> memref<100xi32, #tpu.memory_space<vmem>>
        %dma_start3A_318 = arith.constant 0 : i32
        %dma_start3A_319 = arith.constant 0 : i32
        %dma_start3A_320 = tpu.memref_slice %arg12[%dma_start3A_318, %dma_start3A_319] : memref<10112x128xf32, #tpu.memory_space<vmem_shared>> -> memref<10112x128xf32, #tpu.memory_space<vmem_shared>>
        tpu.enqueue_indirect_dma source(%arg9 : memref<100x128xf32, #tpu.memory_space<vmem>>) target(%dma_start3A_320 : memref<10112x128xf32, #tpu.memory_space<vmem_shared>>) offsets(%dma_start3A_317 : memref<100xi32, #tpu.memory_space<vmem>>) semaphore(%run_scoped3A_314 : memref<!tpu.dma_semaphore, #tpu.memory_space<semaphore_mem>>) {add = true}
        %dma_wait3A_321 = arith.constant 0 : i32
        %dma_wait3A_322 = tpu.memref_slice %arg8[%run_scoped3A_87, %dma_wait3A_321] : memref<20x100xi32, #tpu.memory_space<vmem>> -> memref<1x100xi32, #tpu.memory_space<vmem>>
        %dma_wait3A_323 = tpu.memref_squeeze %dma_wait3A_322 : memref<1x100xi32, #tpu.memory_space<vmem>> -> memref<100xi32, #tpu.memory_space<vmem>>
        %dma_wait3A_324 = arith.constant 0 : i32
        %dma_wait3A_325 = arith.constant 0 : i32
        %dma_wait3A_326 = tpu.memref_slice %arg12[%dma_wait3A_324, %dma_wait3A_325] : memref<10112x128xf32, #tpu.memory_space<vmem_shared>> -> memref<10112x128xf32, #tpu.memory_space<vmem_shared>>
        tpu.wait_indirect_dma semaphore(%run_scoped3A_314 : memref<!tpu.dma_semaphore, #tpu.memory_space<semaphore_mem>>) src(%arg9 : memref<100x128xf32, #tpu.memory_space<vmem>>) dst(%dma_wait3A_326 : memref<10112x128xf32, #tpu.memory_space<vmem_shared>>)
        tpu.yield
      }) : () -> ()
      %dma_start3A_88 = arith.constant 6 : i32
      %dma_start3A_89 = arith.constant 0 : i32
      %dma_start3A_90 = tpu.memref_slice %arg7[%dma_start3A_88, %dma_start3A_89] : memref<20x100xi32, #tpu.memory_space<vmem>> -> memref<1x100xi32, #tpu.memory_space<vmem>>
      %dma_start3A_91 = tpu.memref_squeeze %dma_start3A_90 : memref<1x100xi32, #tpu.memory_space<vmem>> -> memref<100xi32, #tpu.memory_space<vmem>>
      %dma_start3A_92 = arith.constant 0 : i32
      %dma_start3A_93 = arith.constant 0 : i32
      %dma_start3A_94 = tpu.memref_slice %arg2[%dma_start3A_92, %dma_start3A_93] : memref<10000x128xf32, #tpu.memory_space<hbm>> -> memref<10000x128xf32, #tpu.memory_space<hbm>>
      tpu.enqueue_indirect_dma source(%dma_start3A_94 : memref<10000x128xf32, #tpu.memory_space<hbm>>) target(%arg9 : memref<100x128xf32, #tpu.memory_space<vmem>>) offsets(%dma_start3A_91 : memref<100xi32, #tpu.memory_space<vmem>>) semaphore(%arg13 : memref<!tpu.dma_semaphore, #tpu.memory_space<semaphore_mem>>)
      %dma_wait3A_95 = arith.constant 4 : i32
      %dma_wait3A_96 = arith.constant 0 : i32
      %dma_wait3A_97 = tpu.memref_slice %arg7[%dma_wait3A_95, %dma_wait3A_96] : memref<20x100xi32, #tpu.memory_space<vmem>> -> memref<1x100xi32, #tpu.memory_space<vmem>>
      %dma_wait3A_98 = tpu.memref_squeeze %dma_wait3A_97 : memref<1x100xi32, #tpu.memory_space<vmem>> -> memref<100xi32, #tpu.memory_space<vmem>>
      %dma_wait3A_99 = arith.constant 0 : i32
      %dma_wait3A_100 = arith.constant 0 : i32
      %dma_wait3A_101 = tpu.memref_slice %arg2[%dma_wait3A_99, %dma_wait3A_100] : memref<10000x128xf32, #tpu.memory_space<hbm>> -> memref<10000x128xf32, #tpu.memory_space<hbm>>
      tpu.wait_indirect_dma semaphore(%arg14 : memref<!tpu.dma_semaphore, #tpu.memory_space<semaphore_mem>>) src(%dma_wait3A_101 : memref<10000x128xf32, #tpu.memory_space<hbm>>) dst(%arg10 : memref<100x128xf32, #tpu.memory_space<vmem>>)
      %run_scoped3A_102 = arith.constant 4 : i32
      "tpu.region"() ({
        %run_scoped3A_314 = tpu.sem_alloc : memref<!tpu.dma_semaphore, #tpu.memory_space<semaphore_mem>>
        %dma_start3A_315 = arith.constant 0 : i32
        %dma_start3A_316 = tpu.memref_slice %arg8[%run_scoped3A_102, %dma_start3A_315] : memref<20x100xi32, #tpu.memory_space<vmem>> -> memref<1x100xi32, #tpu.memory_space<vmem>>
        %dma_start3A_317 = tpu.memref_squeeze %dma_start3A_316 : memref<1x100xi32, #tpu.memory_space<vmem>> -> memref<100xi32, #tpu.memory_space<vmem>>
        %dma_start3A_318 = arith.constant 0 : i32
        %dma_start3A_319 = arith.constant 0 : i32
        %dma_start3A_320 = tpu.memref_slice %arg12[%dma_start3A_318, %dma_start3A_319] : memref<10112x128xf32, #tpu.memory_space<vmem_shared>> -> memref<10112x128xf32, #tpu.memory_space<vmem_shared>>
        tpu.enqueue_indirect_dma source(%arg10 : memref<100x128xf32, #tpu.memory_space<vmem>>) target(%dma_start3A_320 : memref<10112x128xf32, #tpu.memory_space<vmem_shared>>) offsets(%dma_start3A_317 : memref<100xi32, #tpu.memory_space<vmem>>) semaphore(%run_scoped3A_314 : memref<!tpu.dma_semaphore, #tpu.memory_space<semaphore_mem>>) {add = true}
        %dma_wait3A_321 = arith.constant 0 : i32
        %dma_wait3A_322 = tpu.memref_slice %arg8[%run_scoped3A_102, %dma_wait3A_321] : memref<20x100xi32, #tpu.memory_space<vmem>> -> memref<1x100xi32, #tpu.memory_space<vmem>>
        %dma_wait3A_323 = tpu.memref_squeeze %dma_wait3A_322 : memref<1x100xi32, #tpu.memory_space<vmem>> -> memref<100xi32, #tpu.memory_space<vmem>>
        %dma_wait3A_324 = arith.constant 0 : i32
        %dma_wait3A_325 = arith.constant 0 : i32
        %dma_wait3A_326 = tpu.memref_slice %arg12[%dma_wait3A_324, %dma_wait3A_325] : memref<10112x128xf32, #tpu.memory_space<vmem_shared>> -> memref<10112x128xf32, #tpu.memory_space<vmem_shared>>
        tpu.wait_indirect_dma semaphore(%run_scoped3A_314 : memref<!tpu.dma_semaphore, #tpu.memory_space<semaphore_mem>>) src(%arg10 : memref<100x128xf32, #tpu.memory_space<vmem>>) dst(%dma_wait3A_326 : memref<10112x128xf32, #tpu.memory_space<vmem_shared>>)
        tpu.yield
      }) : () -> ()
      %dma_start3A_103 = arith.constant 7 : i32
      %dma_start3A_104 = arith.constant 0 : i32
      %dma_start3A_105 = tpu.memref_slice %arg7[%dma_start3A_103, %dma_start3A_104] : memref<20x100xi32, #tpu.memory_space<vmem>> -> memref<1x100xi32, #tpu.memory_space<vmem>>
      %dma_start3A_106 = tpu.memref_squeeze %dma_start3A_105 : memref<1x100xi32, #tpu.memory_space<vmem>> -> memref<100xi32, #tpu.memory_space<vmem>>
      %dma_start3A_107 = arith.constant 0 : i32
      %dma_start3A_108 = arith.constant 0 : i32
      %dma_start3A_109 = tpu.memref_slice %arg2[%dma_start3A_107, %dma_start3A_108] : memref<10000x128xf32, #tpu.memory_space<hbm>> -> memref<10000x128xf32, #tpu.memory_space<hbm>>
      tpu.enqueue_indirect_dma source(%dma_start3A_109 : memref<10000x128xf32, #tpu.memory_space<hbm>>) target(%arg10 : memref<100x128xf32, #tpu.memory_space<vmem>>) offsets(%dma_start3A_106 : memref<100xi32, #tpu.memory_space<vmem>>) semaphore(%arg14 : memref<!tpu.dma_semaphore, #tpu.memory_space<semaphore_mem>>)
      %dma_wait3A_110 = arith.constant 5 : i32
      %dma_wait3A_111 = arith.constant 0 : i32
      %dma_wait3A_112 = tpu.memref_slice %arg7[%dma_wait3A_110, %dma_wait3A_111] : memref<20x100xi32, #tpu.memory_space<vmem>> -> memref<1x100xi32, #tpu.memory_space<vmem>>
      %dma_wait3A_113 = tpu.memref_squeeze %dma_wait3A_112 : memref<1x100xi32, #tpu.memory_space<vmem>> -> memref<100xi32, #tpu.memory_space<vmem>>
      %dma_wait3A_114 = arith.constant 0 : i32
      %dma_wait3A_115 = arith.constant 0 : i32
      %dma_wait3A_116 = tpu.memref_slice %arg2[%dma_wait3A_114, %dma_wait3A_115] : memref<10000x128xf32, #tpu.memory_space<hbm>> -> memref<10000x128xf32, #tpu.memory_space<hbm>>
      tpu.wait_indirect_dma semaphore(%arg15 : memref<!tpu.dma_semaphore, #tpu.memory_space<semaphore_mem>>) src(%dma_wait3A_116 : memref<10000x128xf32, #tpu.memory_space<hbm>>) dst(%arg11 : memref<100x128xf32, #tpu.memory_space<vmem>>)
      %run_scoped3A_117 = arith.constant 5 : i32
      "tpu.region"() ({
        %run_scoped3A_314 = tpu.sem_alloc : memref<!tpu.dma_semaphore, #tpu.memory_space<semaphore_mem>>
        %dma_start3A_315 = arith.constant 0 : i32
        %dma_start3A_316 = tpu.memref_slice %arg8[%run_scoped3A_117, %dma_start3A_315] : memref<20x100xi32, #tpu.memory_space<vmem>> -> memref<1x100xi32, #tpu.memory_space<vmem>>
        %dma_start3A_317 = tpu.memref_squeeze %dma_start3A_316 : memref<1x100xi32, #tpu.memory_space<vmem>> -> memref<100xi32, #tpu.memory_space<vmem>>
        %dma_start3A_318 = arith.constant 0 : i32
        %dma_start3A_319 = arith.constant 0 : i32
        %dma_start3A_320 = tpu.memref_slice %arg12[%dma_start3A_318, %dma_start3A_319] : memref<10112x128xf32, #tpu.memory_space<vmem_shared>> -> memref<10112x128xf32, #tpu.memory_space<vmem_shared>>
        tpu.enqueue_indirect_dma source(%arg11 : memref<100x128xf32, #tpu.memory_space<vmem>>) target(%dma_start3A_320 : memref<10112x128xf32, #tpu.memory_space<vmem_shared>>) offsets(%dma_start3A_317 : memref<100xi32, #tpu.memory_space<vmem>>) semaphore(%run_scoped3A_314 : memref<!tpu.dma_semaphore, #tpu.memory_space<semaphore_mem>>) {add = true}
        %dma_wait3A_321 = arith.constant 0 : i32
        %dma_wait3A_322 = tpu.memref_slice %arg8[%run_scoped3A_117, %dma_wait3A_321] : memref<20x100xi32, #tpu.memory_space<vmem>> -> memref<1x100xi32, #tpu.memory_space<vmem>>
        %dma_wait3A_323 = tpu.memref_squeeze %dma_wait3A_322 : memref<1x100xi32, #tpu.memory_space<vmem>> -> memref<100xi32, #tpu.memory_space<vmem>>
        %dma_wait3A_324 = arith.constant 0 : i32
        %dma_wait3A_325 = arith.constant 0 : i32
        %dma_wait3A_326 = tpu.memref_slice %arg12[%dma_wait3A_324, %dma_wait3A_325] : memref<10112x128xf32, #tpu.memory_space<vmem_shared>> -> memref<10112x128xf32, #tpu.memory_space<vmem_shared>>
        tpu.wait_indirect_dma semaphore(%run_scoped3A_314 : memref<!tpu.dma_semaphore, #tpu.memory_space<semaphore_mem>>) src(%arg11 : memref<100x128xf32, #tpu.memory_space<vmem>>) dst(%dma_wait3A_326 : memref<10112x128xf32, #tpu.memory_space<vmem_shared>>)
        tpu.yield
      }) : () -> ()
      %dma_start3A_118 = arith.constant 8 : i32
      %dma_start3A_119 = arith.constant 0 : i32
      %dma_start3A_120 = tpu.memref_slice %arg7[%dma_start3A_118, %dma_start3A_119] : memref<20x100xi32, #tpu.memory_space<vmem>> -> memref<1x100xi32, #tpu.memory_space<vmem>>
      %dma_start3A_121 = tpu.memref_squeeze %dma_start3A_120 : memref<1x100xi32, #tpu.memory_space<vmem>> -> memref<100xi32, #tpu.memory_space<vmem>>
      %dma_start3A_122 = arith.constant 0 : i32
      %dma_start3A_123 = arith.constant 0 : i32
      %dma_start3A_124 = tpu.memref_slice %arg2[%dma_start3A_122, %dma_start3A_123] : memref<10000x128xf32, #tpu.memory_space<hbm>> -> memref<10000x128xf32, #tpu.memory_space<hbm>>
      tpu.enqueue_indirect_dma source(%dma_start3A_124 : memref<10000x128xf32, #tpu.memory_space<hbm>>) target(%arg11 : memref<100x128xf32, #tpu.memory_space<vmem>>) offsets(%dma_start3A_121 : memref<100xi32, #tpu.memory_space<vmem>>) semaphore(%arg15 : memref<!tpu.dma_semaphore, #tpu.memory_space<semaphore_mem>>)
      %dma_wait3A_125 = arith.constant 6 : i32
      %dma_wait3A_126 = arith.constant 0 : i32
      %dma_wait3A_127 = tpu.memref_slice %arg7[%dma_wait3A_125, %dma_wait3A_126] : memref<20x100xi32, #tpu.memory_space<vmem>> -> memref<1x100xi32, #tpu.memory_space<vmem>>
      %dma_wait3A_128 = tpu.memref_squeeze %dma_wait3A_127 : memref<1x100xi32, #tpu.memory_space<vmem>> -> memref<100xi32, #tpu.memory_space<vmem>>
      %dma_wait3A_129 = arith.constant 0 : i32
      %dma_wait3A_130 = arith.constant 0 : i32
      %dma_wait3A_131 = tpu.memref_slice %arg2[%dma_wait3A_129, %dma_wait3A_130] : memref<10000x128xf32, #tpu.memory_space<hbm>> -> memref<10000x128xf32, #tpu.memory_space<hbm>>
      tpu.wait_indirect_dma semaphore(%arg13 : memref<!tpu.dma_semaphore, #tpu.memory_space<semaphore_mem>>) src(%dma_wait3A_131 : memref<10000x128xf32, #tpu.memory_space<hbm>>) dst(%arg9 : memref<100x128xf32, #tpu.memory_space<vmem>>)
      %run_scoped3A_132 = arith.constant 6 : i32
      "tpu.region"() ({
        %run_scoped3A_314 = tpu.sem_alloc : memref<!tpu.dma_semaphore, #tpu.memory_space<semaphore_mem>>
        %dma_start3A_315 = arith.constant 0 : i32
        %dma_start3A_316 = tpu.memref_slice %arg8[%run_scoped3A_132, %dma_start3A_315] : memref<20x100xi32, #tpu.memory_space<vmem>> -> memref<1x100xi32, #tpu.memory_space<vmem>>
        %dma_start3A_317 = tpu.memref_squeeze %dma_start3A_316 : memref<1x100xi32, #tpu.memory_space<vmem>> -> memref<100xi32, #tpu.memory_space<vmem>>
        %dma_start3A_318 = arith.constant 0 : i32
        %dma_start3A_319 = arith.constant 0 : i32
        %dma_start3A_320 = tpu.memref_slice %arg12[%dma_start3A_318, %dma_start3A_319] : memref<10112x128xf32, #tpu.memory_space<vmem_shared>> -> memref<10112x128xf32, #tpu.memory_space<vmem_shared>>
        tpu.enqueue_indirect_dma source(%arg9 : memref<100x128xf32, #tpu.memory_space<vmem>>) target(%dma_start3A_320 : memref<10112x128xf32, #tpu.memory_space<vmem_shared>>) offsets(%dma_start3A_317 : memref<100xi32, #tpu.memory_space<vmem>>) semaphore(%run_scoped3A_314 : memref<!tpu.dma_semaphore, #tpu.memory_space<semaphore_mem>>) {add = true}
        %dma_wait3A_321 = arith.constant 0 : i32
        %dma_wait3A_322 = tpu.memref_slice %arg8[%run_scoped3A_132, %dma_wait3A_321] : memref<20x100xi32, #tpu.memory_space<vmem>> -> memref<1x100xi32, #tpu.memory_space<vmem>>
        %dma_wait3A_323 = tpu.memref_squeeze %dma_wait3A_322 : memref<1x100xi32, #tpu.memory_space<vmem>> -> memref<100xi32, #tpu.memory_space<vmem>>
        %dma_wait3A_324 = arith.constant 0 : i32
        %dma_wait3A_325 = arith.constant 0 : i32
        %dma_wait3A_326 = tpu.memref_slice %arg12[%dma_wait3A_324, %dma_wait3A_325] : memref<10112x128xf32, #tpu.memory_space<vmem_shared>> -> memref<10112x128xf32, #tpu.memory_space<vmem_shared>>
        tpu.wait_indirect_dma semaphore(%run_scoped3A_314 : memref<!tpu.dma_semaphore, #tpu.memory_space<semaphore_mem>>) src(%arg9 : memref<100x128xf32, #tpu.memory_space<vmem>>) dst(%dma_wait3A_326 : memref<10112x128xf32, #tpu.memory_space<vmem_shared>>)
        tpu.yield
      }) : () -> ()
      %dma_start3A_133 = arith.constant 9 : i32
      %dma_start3A_134 = arith.constant 0 : i32
      %dma_start3A_135 = tpu.memref_slice %arg7[%dma_start3A_133, %dma_start3A_134] : memref<20x100xi32, #tpu.memory_space<vmem>> -> memref<1x100xi32, #tpu.memory_space<vmem>>
      %dma_start3A_136 = tpu.memref_squeeze %dma_start3A_135 : memref<1x100xi32, #tpu.memory_space<vmem>> -> memref<100xi32, #tpu.memory_space<vmem>>
      %dma_start3A_137 = arith.constant 0 : i32
      %dma_start3A_138 = arith.constant 0 : i32
      %dma_start3A_139 = tpu.memref_slice %arg2[%dma_start3A_137, %dma_start3A_138] : memref<10000x128xf32, #tpu.memory_space<hbm>> -> memref<10000x128xf32, #tpu.memory_space<hbm>>
      tpu.enqueue_indirect_dma source(%dma_start3A_139 : memref<10000x128xf32, #tpu.memory_space<hbm>>) target(%arg9 : memref<100x128xf32, #tpu.memory_space<vmem>>) offsets(%dma_start3A_136 : memref<100xi32, #tpu.memory_space<vmem>>) semaphore(%arg13 : memref<!tpu.dma_semaphore, #tpu.memory_space<semaphore_mem>>)
      %dma_wait3A_140 = arith.constant 7 : i32
      %dma_wait3A_141 = arith.constant 0 : i32
      %dma_wait3A_142 = tpu.memref_slice %arg7[%dma_wait3A_140, %dma_wait3A_141] : memref<20x100xi32, #tpu.memory_space<vmem>> -> memref<1x100xi32, #tpu.memory_space<vmem>>
      %dma_wait3A_143 = tpu.memref_squeeze %dma_wait3A_142 : memref<1x100xi32, #tpu.memory_space<vmem>> -> memref<100xi32, #tpu.memory_space<vmem>>
      %dma_wait3A_144 = arith.constant 0 : i32
      %dma_wait3A_145 = arith.constant 0 : i32
      %dma_wait3A_146 = tpu.memref_slice %arg2[%dma_wait3A_144, %dma_wait3A_145] : memref<10000x128xf32, #tpu.memory_space<hbm>> -> memref<10000x128xf32, #tpu.memory_space<hbm>>
      tpu.wait_indirect_dma semaphore(%arg14 : memref<!tpu.dma_semaphore, #tpu.memory_space<semaphore_mem>>) src(%dma_wait3A_146 : memref<10000x128xf32, #tpu.memory_space<hbm>>) dst(%arg10 : memref<100x128xf32, #tpu.memory_space<vmem>>)
      %run_scoped3A_147 = arith.constant 7 : i32
      "tpu.region"() ({
        %run_scoped3A_314 = tpu.sem_alloc : memref<!tpu.dma_semaphore, #tpu.memory_space<semaphore_mem>>
        %dma_start3A_315 = arith.constant 0 : i32
        %dma_start3A_316 = tpu.memref_slice %arg8[%run_scoped3A_147, %dma_start3A_315] : memref<20x100xi32, #tpu.memory_space<vmem>> -> memref<1x100xi32, #tpu.memory_space<vmem>>
        %dma_start3A_317 = tpu.memref_squeeze %dma_start3A_316 : memref<1x100xi32, #tpu.memory_space<vmem>> -> memref<100xi32, #tpu.memory_space<vmem>>
        %dma_start3A_318 = arith.constant 0 : i32
        %dma_start3A_319 = arith.constant 0 : i32
        %dma_start3A_320 = tpu.memref_slice %arg12[%dma_start3A_318, %dma_start3A_319] : memref<10112x128xf32, #tpu.memory_space<vmem_shared>> -> memref<10112x128xf32, #tpu.memory_space<vmem_shared>>
        tpu.enqueue_indirect_dma source(%arg10 : memref<100x128xf32, #tpu.memory_space<vmem>>) target(%dma_start3A_320 : memref<10112x128xf32, #tpu.memory_space<vmem_shared>>) offsets(%dma_start3A_317 : memref<100xi32, #tpu.memory_space<vmem>>) semaphore(%run_scoped3A_314 : memref<!tpu.dma_semaphore, #tpu.memory_space<semaphore_mem>>) {add = true}
        %dma_wait3A_321 = arith.constant 0 : i32
        %dma_wait3A_322 = tpu.memref_slice %arg8[%run_scoped3A_147, %dma_wait3A_321] : memref<20x100xi32, #tpu.memory_space<vmem>> -> memref<1x100xi32, #tpu.memory_space<vmem>>
        %dma_wait3A_323 = tpu.memref_squeeze %dma_wait3A_322 : memref<1x100xi32, #tpu.memory_space<vmem>> -> memref<100xi32, #tpu.memory_space<vmem>>
        %dma_wait3A_324 = arith.constant 0 : i32
        %dma_wait3A_325 = arith.constant 0 : i32
        %dma_wait3A_326 = tpu.memref_slice %arg12[%dma_wait3A_324, %dma_wait3A_325] : memref<10112x128xf32, #tpu.memory_space<vmem_shared>> -> memref<10112x128xf32, #tpu.memory_space<vmem_shared>>
        tpu.wait_indirect_dma semaphore(%run_scoped3A_314 : memref<!tpu.dma_semaphore, #tpu.memory_space<semaphore_mem>>) src(%arg10 : memref<100x128xf32, #tpu.memory_space<vmem>>) dst(%dma_wait3A_326 : memref<10112x128xf32, #tpu.memory_space<vmem_shared>>)
        tpu.yield
      }) : () -> ()
      %dma_start3A_148 = arith.constant 10 : i32
      %dma_start3A_149 = arith.constant 0 : i32
      %dma_start3A_150 = tpu.memref_slice %arg7[%dma_start3A_148, %dma_start3A_149] : memref<20x100xi32, #tpu.memory_space<vmem>> -> memref<1x100xi32, #tpu.memory_space<vmem>>
      %dma_start3A_151 = tpu.memref_squeeze %dma_start3A_150 : memref<1x100xi32, #tpu.memory_space<vmem>> -> memref<100xi32, #tpu.memory_space<vmem>>
      %dma_start3A_152 = arith.constant 0 : i32
      %dma_start3A_153 = arith.constant 0 : i32
      %dma_start3A_154 = tpu.memref_slice %arg2[%dma_start3A_152, %dma_start3A_153] : memref<10000x128xf32, #tpu.memory_space<hbm>> -> memref<10000x128xf32, #tpu.memory_space<hbm>>
      tpu.enqueue_indirect_dma source(%dma_start3A_154 : memref<10000x128xf32, #tpu.memory_space<hbm>>) target(%arg10 : memref<100x128xf32, #tpu.memory_space<vmem>>) offsets(%dma_start3A_151 : memref<100xi32, #tpu.memory_space<vmem>>) semaphore(%arg14 : memref<!tpu.dma_semaphore, #tpu.memory_space<semaphore_mem>>)
      %dma_wait3A_155 = arith.constant 8 : i32
      %dma_wait3A_156 = arith.constant 0 : i32
      %dma_wait3A_157 = tpu.memref_slice %arg7[%dma_wait3A_155, %dma_wait3A_156] : memref<20x100xi32, #tpu.memory_space<vmem>> -> memref<1x100xi32, #tpu.memory_space<vmem>>
      %dma_wait3A_158 = tpu.memref_squeeze %dma_wait3A_157 : memref<1x100xi32, #tpu.memory_space<vmem>> -> memref<100xi32, #tpu.memory_space<vmem>>
      %dma_wait3A_159 = arith.constant 0 : i32
      %dma_wait3A_160 = arith.constant 0 : i32
      %dma_wait3A_161 = tpu.memref_slice %arg2[%dma_wait3A_159, %dma_wait3A_160] : memref<10000x128xf32, #tpu.memory_space<hbm>> -> memref<10000x128xf32, #tpu.memory_space<hbm>>
      tpu.wait_indirect_dma semaphore(%arg15 : memref<!tpu.dma_semaphore, #tpu.memory_space<semaphore_mem>>) src(%dma_wait3A_161 : memref<10000x128xf32, #tpu.memory_space<hbm>>) dst(%arg11 : memref<100x128xf32, #tpu.memory_space<vmem>>)
      %run_scoped3A_162 = arith.constant 8 : i32
      "tpu.region"() ({
        %run_scoped3A_314 = tpu.sem_alloc : memref<!tpu.dma_semaphore, #tpu.memory_space<semaphore_mem>>
        %dma_start3A_315 = arith.constant 0 : i32
        %dma_start3A_316 = tpu.memref_slice %arg8[%run_scoped3A_162, %dma_start3A_315] : memref<20x100xi32, #tpu.memory_space<vmem>> -> memref<1x100xi32, #tpu.memory_space<vmem>>
        %dma_start3A_317 = tpu.memref_squeeze %dma_start3A_316 : memref<1x100xi32, #tpu.memory_space<vmem>> -> memref<100xi32, #tpu.memory_space<vmem>>
        %dma_start3A_318 = arith.constant 0 : i32
        %dma_start3A_319 = arith.constant 0 : i32
        %dma_start3A_320 = tpu.memref_slice %arg12[%dma_start3A_318, %dma_start3A_319] : memref<10112x128xf32, #tpu.memory_space<vmem_shared>> -> memref<10112x128xf32, #tpu.memory_space<vmem_shared>>
        tpu.enqueue_indirect_dma source(%arg11 : memref<100x128xf32, #tpu.memory_space<vmem>>) target(%dma_start3A_320 : memref<10112x128xf32, #tpu.memory_space<vmem_shared>>) offsets(%dma_start3A_317 : memref<100xi32, #tpu.memory_space<vmem>>) semaphore(%run_scoped3A_314 : memref<!tpu.dma_semaphore, #tpu.memory_space<semaphore_mem>>) {add = true}
        %dma_wait3A_321 = arith.constant 0 : i32
        %dma_wait3A_322 = tpu.memref_slice %arg8[%run_scoped3A_162, %dma_wait3A_321] : memref<20x100xi32, #tpu.memory_space<vmem>> -> memref<1x100xi32, #tpu.memory_space<vmem>>
        %dma_wait3A_323 = tpu.memref_squeeze %dma_wait3A_322 : memref<1x100xi32, #tpu.memory_space<vmem>> -> memref<100xi32, #tpu.memory_space<vmem>>
        %dma_wait3A_324 = arith.constant 0 : i32
        %dma_wait3A_325 = arith.constant 0 : i32
        %dma_wait3A_326 = tpu.memref_slice %arg12[%dma_wait3A_324, %dma_wait3A_325] : memref<10112x128xf32, #tpu.memory_space<vmem_shared>> -> memref<10112x128xf32, #tpu.memory_space<vmem_shared>>
        tpu.wait_indirect_dma semaphore(%run_scoped3A_314 : memref<!tpu.dma_semaphore, #tpu.memory_space<semaphore_mem>>) src(%arg11 : memref<100x128xf32, #tpu.memory_space<vmem>>) dst(%dma_wait3A_326 : memref<10112x128xf32, #tpu.memory_space<vmem_shared>>)
        tpu.yield
      }) : () -> ()
      %dma_start3A_163 = arith.constant 11 : i32
      %dma_start3A_164 = arith.constant 0 : i32
      %dma_start3A_165 = tpu.memref_slice %arg7[%dma_start3A_163, %dma_start3A_164] : memref<20x100xi32, #tpu.memory_space<vmem>> -> memref<1x100xi32, #tpu.memory_space<vmem>>
      %dma_start3A_166 = tpu.memref_squeeze %dma_start3A_165 : memref<1x100xi32, #tpu.memory_space<vmem>> -> memref<100xi32, #tpu.memory_space<vmem>>
      %dma_start3A_167 = arith.constant 0 : i32
      %dma_start3A_168 = arith.constant 0 : i32
      %dma_start3A_169 = tpu.memref_slice %arg2[%dma_start3A_167, %dma_start3A_168] : memref<10000x128xf32, #tpu.memory_space<hbm>> -> memref<10000x128xf32, #tpu.memory_space<hbm>>
      tpu.enqueue_indirect_dma source(%dma_start3A_169 : memref<10000x128xf32, #tpu.memory_space<hbm>>) target(%arg11 : memref<100x128xf32, #tpu.memory_space<vmem>>) offsets(%dma_start3A_166 : memref<100xi32, #tpu.memory_space<vmem>>) semaphore(%arg15 : memref<!tpu.dma_semaphore, #tpu.memory_space<semaphore_mem>>)
      %dma_wait3A_170 = arith.constant 9 : i32
      %dma_wait3A_171 = arith.constant 0 : i32
      %dma_wait3A_172 = tpu.memref_slice %arg7[%dma_wait3A_170, %dma_wait3A_171] : memref<20x100xi32, #tpu.memory_space<vmem>> -> memref<1x100xi32, #tpu.memory_space<vmem>>
      %dma_wait3A_173 = tpu.memref_squeeze %dma_wait3A_172 : memref<1x100xi32, #tpu.memory_space<vmem>> -> memref<100xi32, #tpu.memory_space<vmem>>
      %dma_wait3A_174 = arith.constant 0 : i32
      %dma_wait3A_175 = arith.constant 0 : i32
      %dma_wait3A_176 = tpu.memref_slice %arg2[%dma_wait3A_174, %dma_wait3A_175] : memref<10000x128xf32, #tpu.memory_space<hbm>> -> memref<10000x128xf32, #tpu.memory_space<hbm>>
      tpu.wait_indirect_dma semaphore(%arg13 : memref<!tpu.dma_semaphore, #tpu.memory_space<semaphore_mem>>) src(%dma_wait3A_176 : memref<10000x128xf32, #tpu.memory_space<hbm>>) dst(%arg9 : memref<100x128xf32, #tpu.memory_space<vmem>>)
      %run_scoped3A_177 = arith.constant 9 : i32
      "tpu.region"() ({
        %run_scoped3A_314 = tpu.sem_alloc : memref<!tpu.dma_semaphore, #tpu.memory_space<semaphore_mem>>
        %dma_start3A_315 = arith.constant 0 : i32
        %dma_start3A_316 = tpu.memref_slice %arg8[%run_scoped3A_177, %dma_start3A_315] : memref<20x100xi32, #tpu.memory_space<vmem>> -> memref<1x100xi32, #tpu.memory_space<vmem>>
        %dma_start3A_317 = tpu.memref_squeeze %dma_start3A_316 : memref<1x100xi32, #tpu.memory_space<vmem>> -> memref<100xi32, #tpu.memory_space<vmem>>
        %dma_start3A_318 = arith.constant 0 : i32
        %dma_start3A_319 = arith.constant 0 : i32
        %dma_start3A_320 = tpu.memref_slice %arg12[%dma_start3A_318, %dma_start3A_319] : memref<10112x128xf32, #tpu.memory_space<vmem_shared>> -> memref<10112x128xf32, #tpu.memory_space<vmem_shared>>
        tpu.enqueue_indirect_dma source(%arg9 : memref<100x128xf32, #tpu.memory_space<vmem>>) target(%dma_start3A_320 : memref<10112x128xf32, #tpu.memory_space<vmem_shared>>) offsets(%dma_start3A_317 : memref<100xi32, #tpu.memory_space<vmem>>) semaphore(%run_scoped3A_314 : memref<!tpu.dma_semaphore, #tpu.memory_space<semaphore_mem>>) {add = true}
        %dma_wait3A_321 = arith.constant 0 : i32
        %dma_wait3A_322 = tpu.memref_slice %arg8[%run_scoped3A_177, %dma_wait3A_321] : memref<20x100xi32, #tpu.memory_space<vmem>> -> memref<1x100xi32, #tpu.memory_space<vmem>>
        %dma_wait3A_323 = tpu.memref_squeeze %dma_wait3A_322 : memref<1x100xi32, #tpu.memory_space<vmem>> -> memref<100xi32, #tpu.memory_space<vmem>>
        %dma_wait3A_324 = arith.constant 0 : i32
        %dma_wait3A_325 = arith.constant 0 : i32
        %dma_wait3A_326 = tpu.memref_slice %arg12[%dma_wait3A_324, %dma_wait3A_325] : memref<10112x128xf32, #tpu.memory_space<vmem_shared>> -> memref<10112x128xf32, #tpu.memory_space<vmem_shared>>
        tpu.wait_indirect_dma semaphore(%run_scoped3A_314 : memref<!tpu.dma_semaphore, #tpu.memory_space<semaphore_mem>>) src(%arg9 : memref<100x128xf32, #tpu.memory_space<vmem>>) dst(%dma_wait3A_326 : memref<10112x128xf32, #tpu.memory_space<vmem_shared>>)
        tpu.yield
      }) : () -> ()
      %dma_start3A_178 = arith.constant 12 : i32
      %dma_start3A_179 = arith.constant 0 : i32
      %dma_start3A_180 = tpu.memref_slice %arg7[%dma_start3A_178, %dma_start3A_179] : memref<20x100xi32, #tpu.memory_space<vmem>> -> memref<1x100xi32, #tpu.memory_space<vmem>>
      %dma_start3A_181 = tpu.memref_squeeze %dma_start3A_180 : memref<1x100xi32, #tpu.memory_space<vmem>> -> memref<100xi32, #tpu.memory_space<vmem>>
      %dma_start3A_182 = arith.constant 0 : i32
      %dma_start3A_183 = arith.constant 0 : i32
      %dma_start3A_184 = tpu.memref_slice %arg2[%dma_start3A_182, %dma_start3A_183] : memref<10000x128xf32, #tpu.memory_space<hbm>> -> memref<10000x128xf32, #tpu.memory_space<hbm>>
      tpu.enqueue_indirect_dma source(%dma_start3A_184 : memref<10000x128xf32, #tpu.memory_space<hbm>>) target(%arg9 : memref<100x128xf32, #tpu.memory_space<vmem>>) offsets(%dma_start3A_181 : memref<100xi32, #tpu.memory_space<vmem>>) semaphore(%arg13 : memref<!tpu.dma_semaphore, #tpu.memory_space<semaphore_mem>>)
      %dma_wait3A_185 = arith.constant 10 : i32
      %dma_wait3A_186 = arith.constant 0 : i32
      %dma_wait3A_187 = tpu.memref_slice %arg7[%dma_wait3A_185, %dma_wait3A_186] : memref<20x100xi32, #tpu.memory_space<vmem>> -> memref<1x100xi32, #tpu.memory_space<vmem>>
      %dma_wait3A_188 = tpu.memref_squeeze %dma_wait3A_187 : memref<1x100xi32, #tpu.memory_space<vmem>> -> memref<100xi32, #tpu.memory_space<vmem>>
      %dma_wait3A_189 = arith.constant 0 : i32
      %dma_wait3A_190 = arith.constant 0 : i32
      %dma_wait3A_191 = tpu.memref_slice %arg2[%dma_wait3A_189, %dma_wait3A_190] : memref<10000x128xf32, #tpu.memory_space<hbm>> -> memref<10000x128xf32, #tpu.memory_space<hbm>>
      tpu.wait_indirect_dma semaphore(%arg14 : memref<!tpu.dma_semaphore, #tpu.memory_space<semaphore_mem>>) src(%dma_wait3A_191 : memref<10000x128xf32, #tpu.memory_space<hbm>>) dst(%arg10 : memref<100x128xf32, #tpu.memory_space<vmem>>)
      %run_scoped3A_192 = arith.constant 10 : i32
      "tpu.region"() ({
        %run_scoped3A_314 = tpu.sem_alloc : memref<!tpu.dma_semaphore, #tpu.memory_space<semaphore_mem>>
        %dma_start3A_315 = arith.constant 0 : i32
        %dma_start3A_316 = tpu.memref_slice %arg8[%run_scoped3A_192, %dma_start3A_315] : memref<20x100xi32, #tpu.memory_space<vmem>> -> memref<1x100xi32, #tpu.memory_space<vmem>>
        %dma_start3A_317 = tpu.memref_squeeze %dma_start3A_316 : memref<1x100xi32, #tpu.memory_space<vmem>> -> memref<100xi32, #tpu.memory_space<vmem>>
        %dma_start3A_318 = arith.constant 0 : i32
        %dma_start3A_319 = arith.constant 0 : i32
        %dma_start3A_320 = tpu.memref_slice %arg12[%dma_start3A_318, %dma_start3A_319] : memref<10112x128xf32, #tpu.memory_space<vmem_shared>> -> memref<10112x128xf32, #tpu.memory_space<vmem_shared>>
        tpu.enqueue_indirect_dma source(%arg10 : memref<100x128xf32, #tpu.memory_space<vmem>>) target(%dma_start3A_320 : memref<10112x128xf32, #tpu.memory_space<vmem_shared>>) offsets(%dma_start3A_317 : memref<100xi32, #tpu.memory_space<vmem>>) semaphore(%run_scoped3A_314 : memref<!tpu.dma_semaphore, #tpu.memory_space<semaphore_mem>>) {add = true}
        %dma_wait3A_321 = arith.constant 0 : i32
        %dma_wait3A_322 = tpu.memref_slice %arg8[%run_scoped3A_192, %dma_wait3A_321] : memref<20x100xi32, #tpu.memory_space<vmem>> -> memref<1x100xi32, #tpu.memory_space<vmem>>
        %dma_wait3A_323 = tpu.memref_squeeze %dma_wait3A_322 : memref<1x100xi32, #tpu.memory_space<vmem>> -> memref<100xi32, #tpu.memory_space<vmem>>
        %dma_wait3A_324 = arith.constant 0 : i32
        %dma_wait3A_325 = arith.constant 0 : i32
        %dma_wait3A_326 = tpu.memref_slice %arg12[%dma_wait3A_324, %dma_wait3A_325] : memref<10112x128xf32, #tpu.memory_space<vmem_shared>> -> memref<10112x128xf32, #tpu.memory_space<vmem_shared>>
        tpu.wait_indirect_dma semaphore(%run_scoped3A_314 : memref<!tpu.dma_semaphore, #tpu.memory_space<semaphore_mem>>) src(%arg10 : memref<100x128xf32, #tpu.memory_space<vmem>>) dst(%dma_wait3A_326 : memref<10112x128xf32, #tpu.memory_space<vmem_shared>>)
        tpu.yield
      }) : () -> ()
      %dma_start3A_193 = arith.constant 13 : i32
      %dma_start3A_194 = arith.constant 0 : i32
      %dma_start3A_195 = tpu.memref_slice %arg7[%dma_start3A_193, %dma_start3A_194] : memref<20x100xi32, #tpu.memory_space<vmem>> -> memref<1x100xi32, #tpu.memory_space<vmem>>
      %dma_start3A_196 = tpu.memref_squeeze %dma_start3A_195 : memref<1x100xi32, #tpu.memory_space<vmem>> -> memref<100xi32, #tpu.memory_space<vmem>>
      %dma_start3A_197 = arith.constant 0 : i32
      %dma_start3A_198 = arith.constant 0 : i32
      %dma_start3A_199 = tpu.memref_slice %arg2[%dma_start3A_197, %dma_start3A_198] : memref<10000x128xf32, #tpu.memory_space<hbm>> -> memref<10000x128xf32, #tpu.memory_space<hbm>>
      tpu.enqueue_indirect_dma source(%dma_start3A_199 : memref<10000x128xf32, #tpu.memory_space<hbm>>) target(%arg10 : memref<100x128xf32, #tpu.memory_space<vmem>>) offsets(%dma_start3A_196 : memref<100xi32, #tpu.memory_space<vmem>>) semaphore(%arg14 : memref<!tpu.dma_semaphore, #tpu.memory_space<semaphore_mem>>)
      %dma_wait3A_200 = arith.constant 11 : i32
      %dma_wait3A_201 = arith.constant 0 : i32
      %dma_wait3A_202 = tpu.memref_slice %arg7[%dma_wait3A_200, %dma_wait3A_201] : memref<20x100xi32, #tpu.memory_space<vmem>> -> memref<1x100xi32, #tpu.memory_space<vmem>>
      %dma_wait3A_203 = tpu.memref_squeeze %dma_wait3A_202 : memref<1x100xi32, #tpu.memory_space<vmem>> -> memref<100xi32, #tpu.memory_space<vmem>>
      %dma_wait3A_204 = arith.constant 0 : i32
      %dma_wait3A_205 = arith.constant 0 : i32
      %dma_wait3A_206 = tpu.memref_slice %arg2[%dma_wait3A_204, %dma_wait3A_205] : memref<10000x128xf32, #tpu.memory_space<hbm>> -> memref<10000x128xf32, #tpu.memory_space<hbm>>
      tpu.wait_indirect_dma semaphore(%arg15 : memref<!tpu.dma_semaphore, #tpu.memory_space<semaphore_mem>>) src(%dma_wait3A_206 : memref<10000x128xf32, #tpu.memory_space<hbm>>) dst(%arg11 : memref<100x128xf32, #tpu.memory_space<vmem>>)
      %run_scoped3A_207 = arith.constant 11 : i32
      "tpu.region"() ({
        %run_scoped3A_314 = tpu.sem_alloc : memref<!tpu.dma_semaphore, #tpu.memory_space<semaphore_mem>>
        %dma_start3A_315 = arith.constant 0 : i32
        %dma_start3A_316 = tpu.memref_slice %arg8[%run_scoped3A_207, %dma_start3A_315] : memref<20x100xi32, #tpu.memory_space<vmem>> -> memref<1x100xi32, #tpu.memory_space<vmem>>
        %dma_start3A_317 = tpu.memref_squeeze %dma_start3A_316 : memref<1x100xi32, #tpu.memory_space<vmem>> -> memref<100xi32, #tpu.memory_space<vmem>>
        %dma_start3A_318 = arith.constant 0 : i32
        %dma_start3A_319 = arith.constant 0 : i32
        %dma_start3A_320 = tpu.memref_slice %arg12[%dma_start3A_318, %dma_start3A_319] : memref<10112x128xf32, #tpu.memory_space<vmem_shared>> -> memref<10112x128xf32, #tpu.memory_space<vmem_shared>>
        tpu.enqueue_indirect_dma source(%arg11 : memref<100x128xf32, #tpu.memory_space<vmem>>) target(%dma_start3A_320 : memref<10112x128xf32, #tpu.memory_space<vmem_shared>>) offsets(%dma_start3A_317 : memref<100xi32, #tpu.memory_space<vmem>>) semaphore(%run_scoped3A_314 : memref<!tpu.dma_semaphore, #tpu.memory_space<semaphore_mem>>) {add = true}
        %dma_wait3A_321 = arith.constant 0 : i32
        %dma_wait3A_322 = tpu.memref_slice %arg8[%run_scoped3A_207, %dma_wait3A_321] : memref<20x100xi32, #tpu.memory_space<vmem>> -> memref<1x100xi32, #tpu.memory_space<vmem>>
        %dma_wait3A_323 = tpu.memref_squeeze %dma_wait3A_322 : memref<1x100xi32, #tpu.memory_space<vmem>> -> memref<100xi32, #tpu.memory_space<vmem>>
        %dma_wait3A_324 = arith.constant 0 : i32
        %dma_wait3A_325 = arith.constant 0 : i32
        %dma_wait3A_326 = tpu.memref_slice %arg12[%dma_wait3A_324, %dma_wait3A_325] : memref<10112x128xf32, #tpu.memory_space<vmem_shared>> -> memref<10112x128xf32, #tpu.memory_space<vmem_shared>>
        tpu.wait_indirect_dma semaphore(%run_scoped3A_314 : memref<!tpu.dma_semaphore, #tpu.memory_space<semaphore_mem>>) src(%arg11 : memref<100x128xf32, #tpu.memory_space<vmem>>) dst(%dma_wait3A_326 : memref<10112x128xf32, #tpu.memory_space<vmem_shared>>)
        tpu.yield
      }) : () -> ()
      %dma_start3A_208 = arith.constant 14 : i32
      %dma_start3A_209 = arith.constant 0 : i32
      %dma_start3A_210 = tpu.memref_slice %arg7[%dma_start3A_208, %dma_start3A_209] : memref<20x100xi32, #tpu.memory_space<vmem>> -> memref<1x100xi32, #tpu.memory_space<vmem>>
      %dma_start3A_211 = tpu.memref_squeeze %dma_start3A_210 : memref<1x100xi32, #tpu.memory_space<vmem>> -> memref<100xi32, #tpu.memory_space<vmem>>
      %dma_start3A_212 = arith.constant 0 : i32
      %dma_start3A_213 = arith.constant 0 : i32
      %dma_start3A_214 = tpu.memref_slice %arg2[%dma_start3A_212, %dma_start3A_213] : memref<10000x128xf32, #tpu.memory_space<hbm>> -> memref<10000x128xf32, #tpu.memory_space<hbm>>
      tpu.enqueue_indirect_dma source(%dma_start3A_214 : memref<10000x128xf32, #tpu.memory_space<hbm>>) target(%arg11 : memref<100x128xf32, #tpu.memory_space<vmem>>) offsets(%dma_start3A_211 : memref<100xi32, #tpu.memory_space<vmem>>) semaphore(%arg15 : memref<!tpu.dma_semaphore, #tpu.memory_space<semaphore_mem>>)
      %dma_wait3A_215 = arith.constant 12 : i32
      %dma_wait3A_216 = arith.constant 0 : i32
      %dma_wait3A_217 = tpu.memref_slice %arg7[%dma_wait3A_215, %dma_wait3A_216] : memref<20x100xi32, #tpu.memory_space<vmem>> -> memref<1x100xi32, #tpu.memory_space<vmem>>
      %dma_wait3A_218 = tpu.memref_squeeze %dma_wait3A_217 : memref<1x100xi32, #tpu.memory_space<vmem>> -> memref<100xi32, #tpu.memory_space<vmem>>
      %dma_wait3A_219 = arith.constant 0 : i32
      %dma_wait3A_220 = arith.constant 0 : i32
      %dma_wait3A_221 = tpu.memref_slice %arg2[%dma_wait3A_219, %dma_wait3A_220] : memref<10000x128xf32, #tpu.memory_space<hbm>> -> memref<10000x128xf32, #tpu.memory_space<hbm>>
      tpu.wait_indirect_dma semaphore(%arg13 : memref<!tpu.dma_semaphore, #tpu.memory_space<semaphore_mem>>) src(%dma_wait3A_221 : memref<10000x128xf32, #tpu.memory_space<hbm>>) dst(%arg9 : memref<100x128xf32, #tpu.memory_space<vmem>>)
      %run_scoped3A_222 = arith.constant 12 : i32
      "tpu.region"() ({
        %run_scoped3A_314 = tpu.sem_alloc : memref<!tpu.dma_semaphore, #tpu.memory_space<semaphore_mem>>
        %dma_start3A_315 = arith.constant 0 : i32
        %dma_start3A_316 = tpu.memref_slice %arg8[%run_scoped3A_222, %dma_start3A_315] : memref<20x100xi32, #tpu.memory_space<vmem>> -> memref<1x100xi32, #tpu.memory_space<vmem>>
        %dma_start3A_317 = tpu.memref_squeeze %dma_start3A_316 : memref<1x100xi32, #tpu.memory_space<vmem>> -> memref<100xi32, #tpu.memory_space<vmem>>
        %dma_start3A_318 = arith.constant 0 : i32
        %dma_start3A_319 = arith.constant 0 : i32
        %dma_start3A_320 = tpu.memref_slice %arg12[%dma_start3A_318, %dma_start3A_319] : memref<10112x128xf32, #tpu.memory_space<vmem_shared>> -> memref<10112x128xf32, #tpu.memory_space<vmem_shared>>
        tpu.enqueue_indirect_dma source(%arg9 : memref<100x128xf32, #tpu.memory_space<vmem>>) target(%dma_start3A_320 : memref<10112x128xf32, #tpu.memory_space<vmem_shared>>) offsets(%dma_start3A_317 : memref<100xi32, #tpu.memory_space<vmem>>) semaphore(%run_scoped3A_314 : memref<!tpu.dma_semaphore, #tpu.memory_space<semaphore_mem>>) {add = true}
        %dma_wait3A_321 = arith.constant 0 : i32
        %dma_wait3A_322 = tpu.memref_slice %arg8[%run_scoped3A_222, %dma_wait3A_321] : memref<20x100xi32, #tpu.memory_space<vmem>> -> memref<1x100xi32, #tpu.memory_space<vmem>>
        %dma_wait3A_323 = tpu.memref_squeeze %dma_wait3A_322 : memref<1x100xi32, #tpu.memory_space<vmem>> -> memref<100xi32, #tpu.memory_space<vmem>>
        %dma_wait3A_324 = arith.constant 0 : i32
        %dma_wait3A_325 = arith.constant 0 : i32
        %dma_wait3A_326 = tpu.memref_slice %arg12[%dma_wait3A_324, %dma_wait3A_325] : memref<10112x128xf32, #tpu.memory_space<vmem_shared>> -> memref<10112x128xf32, #tpu.memory_space<vmem_shared>>
        tpu.wait_indirect_dma semaphore(%run_scoped3A_314 : memref<!tpu.dma_semaphore, #tpu.memory_space<semaphore_mem>>) src(%arg9 : memref<100x128xf32, #tpu.memory_space<vmem>>) dst(%dma_wait3A_326 : memref<10112x128xf32, #tpu.memory_space<vmem_shared>>)
        tpu.yield
      }) : () -> ()
      %dma_start3A_223 = arith.constant 15 : i32
      %dma_start3A_224 = arith.constant 0 : i32
      %dma_start3A_225 = tpu.memref_slice %arg7[%dma_start3A_223, %dma_start3A_224] : memref<20x100xi32, #tpu.memory_space<vmem>> -> memref<1x100xi32, #tpu.memory_space<vmem>>
      %dma_start3A_226 = tpu.memref_squeeze %dma_start3A_225 : memref<1x100xi32, #tpu.memory_space<vmem>> -> memref<100xi32, #tpu.memory_space<vmem>>
      %dma_start3A_227 = arith.constant 0 : i32
      %dma_start3A_228 = arith.constant 0 : i32
      %dma_start3A_229 = tpu.memref_slice %arg2[%dma_start3A_227, %dma_start3A_228] : memref<10000x128xf32, #tpu.memory_space<hbm>> -> memref<10000x128xf32, #tpu.memory_space<hbm>>
      tpu.enqueue_indirect_dma source(%dma_start3A_229 : memref<10000x128xf32, #tpu.memory_space<hbm>>) target(%arg9 : memref<100x128xf32, #tpu.memory_space<vmem>>) offsets(%dma_start3A_226 : memref<100xi32, #tpu.memory_space<vmem>>) semaphore(%arg13 : memref<!tpu.dma_semaphore, #tpu.memory_space<semaphore_mem>>)
      %dma_wait3A_230 = arith.constant 13 : i32
      %dma_wait3A_231 = arith.constant 0 : i32
      %dma_wait3A_232 = tpu.memref_slice %arg7[%dma_wait3A_230, %dma_wait3A_231] : memref<20x100xi32, #tpu.memory_space<vmem>> -> memref<1x100xi32, #tpu.memory_space<vmem>>
      %dma_wait3A_233 = tpu.memref_squeeze %dma_wait3A_232 : memref<1x100xi32, #tpu.memory_space<vmem>> -> memref<100xi32, #tpu.memory_space<vmem>>
      %dma_wait3A_234 = arith.constant 0 : i32
      %dma_wait3A_235 = arith.constant 0 : i32
      %dma_wait3A_236 = tpu.memref_slice %arg2[%dma_wait3A_234, %dma_wait3A_235] : memref<10000x128xf32, #tpu.memory_space<hbm>> -> memref<10000x128xf32, #tpu.memory_space<hbm>>
      tpu.wait_indirect_dma semaphore(%arg14 : memref<!tpu.dma_semaphore, #tpu.memory_space<semaphore_mem>>) src(%dma_wait3A_236 : memref<10000x128xf32, #tpu.memory_space<hbm>>) dst(%arg10 : memref<100x128xf32, #tpu.memory_space<vmem>>)
      %run_scoped3A_237 = arith.constant 13 : i32
      "tpu.region"() ({
        %run_scoped3A_314 = tpu.sem_alloc : memref<!tpu.dma_semaphore, #tpu.memory_space<semaphore_mem>>
        %dma_start3A_315 = arith.constant 0 : i32
        %dma_start3A_316 = tpu.memref_slice %arg8[%run_scoped3A_237, %dma_start3A_315] : memref<20x100xi32, #tpu.memory_space<vmem>> -> memref<1x100xi32, #tpu.memory_space<vmem>>
        %dma_start3A_317 = tpu.memref_squeeze %dma_start3A_316 : memref<1x100xi32, #tpu.memory_space<vmem>> -> memref<100xi32, #tpu.memory_space<vmem>>
        %dma_start3A_318 = arith.constant 0 : i32
        %dma_start3A_319 = arith.constant 0 : i32
        %dma_start3A_320 = tpu.memref_slice %arg12[%dma_start3A_318, %dma_start3A_319] : memref<10112x128xf32, #tpu.memory_space<vmem_shared>> -> memref<10112x128xf32, #tpu.memory_space<vmem_shared>>
        tpu.enqueue_indirect_dma source(%arg10 : memref<100x128xf32, #tpu.memory_space<vmem>>) target(%dma_start3A_320 : memref<10112x128xf32, #tpu.memory_space<vmem_shared>>) offsets(%dma_start3A_317 : memref<100xi32, #tpu.memory_space<vmem>>) semaphore(%run_scoped3A_314 : memref<!tpu.dma_semaphore, #tpu.memory_space<semaphore_mem>>) {add = true}
        %dma_wait3A_321 = arith.constant 0 : i32
        %dma_wait3A_322 = tpu.memref_slice %arg8[%run_scoped3A_237, %dma_wait3A_321] : memref<20x100xi32, #tpu.memory_space<vmem>> -> memref<1x100xi32, #tpu.memory_space<vmem>>
        %dma_wait3A_323 = tpu.memref_squeeze %dma_wait3A_322 : memref<1x100xi32, #tpu.memory_space<vmem>> -> memref<100xi32, #tpu.memory_space<vmem>>
        %dma_wait3A_324 = arith.constant 0 : i32
        %dma_wait3A_325 = arith.constant 0 : i32
        %dma_wait3A_326 = tpu.memref_slice %arg12[%dma_wait3A_324, %dma_wait3A_325] : memref<10112x128xf32, #tpu.memory_space<vmem_shared>> -> memref<10112x128xf32, #tpu.memory_space<vmem_shared>>
        tpu.wait_indirect_dma semaphore(%run_scoped3A_314 : memref<!tpu.dma_semaphore, #tpu.memory_space<semaphore_mem>>) src(%arg10 : memref<100x128xf32, #tpu.memory_space<vmem>>) dst(%dma_wait3A_326 : memref<10112x128xf32, #tpu.memory_space<vmem_shared>>)
        tpu.yield
      }) : () -> ()
      %dma_start3A_238 = arith.constant 16 : i32
      %dma_start3A_239 = arith.constant 0 : i32
      %dma_start3A_240 = tpu.memref_slice %arg7[%dma_start3A_238, %dma_start3A_239] : memref<20x100xi32, #tpu.memory_space<vmem>> -> memref<1x100xi32, #tpu.memory_space<vmem>>
      %dma_start3A_241 = tpu.memref_squeeze %dma_start3A_240 : memref<1x100xi32, #tpu.memory_space<vmem>> -> memref<100xi32, #tpu.memory_space<vmem>>
      %dma_start3A_242 = arith.constant 0 : i32
      %dma_start3A_243 = arith.constant 0 : i32
      %dma_start3A_244 = tpu.memref_slice %arg2[%dma_start3A_242, %dma_start3A_243] : memref<10000x128xf32, #tpu.memory_space<hbm>> -> memref<10000x128xf32, #tpu.memory_space<hbm>>
      tpu.enqueue_indirect_dma source(%dma_start3A_244 : memref<10000x128xf32, #tpu.memory_space<hbm>>) target(%arg10 : memref<100x128xf32, #tpu.memory_space<vmem>>) offsets(%dma_start3A_241 : memref<100xi32, #tpu.memory_space<vmem>>) semaphore(%arg14 : memref<!tpu.dma_semaphore, #tpu.memory_space<semaphore_mem>>)
      %dma_wait3A_245 = arith.constant 14 : i32
      %dma_wait3A_246 = arith.constant 0 : i32
      %dma_wait3A_247 = tpu.memref_slice %arg7[%dma_wait3A_245, %dma_wait3A_246] : memref<20x100xi32, #tpu.memory_space<vmem>> -> memref<1x100xi32, #tpu.memory_space<vmem>>
      %dma_wait3A_248 = tpu.memref_squeeze %dma_wait3A_247 : memref<1x100xi32, #tpu.memory_space<vmem>> -> memref<100xi32, #tpu.memory_space<vmem>>
      %dma_wait3A_249 = arith.constant 0 : i32
      %dma_wait3A_250 = arith.constant 0 : i32
      %dma_wait3A_251 = tpu.memref_slice %arg2[%dma_wait3A_249, %dma_wait3A_250] : memref<10000x128xf32, #tpu.memory_space<hbm>> -> memref<10000x128xf32, #tpu.memory_space<hbm>>
      tpu.wait_indirect_dma semaphore(%arg15 : memref<!tpu.dma_semaphore, #tpu.memory_space<semaphore_mem>>) src(%dma_wait3A_251 : memref<10000x128xf32, #tpu.memory_space<hbm>>) dst(%arg11 : memref<100x128xf32, #tpu.memory_space<vmem>>)
      %run_scoped3A_252 = arith.constant 14 : i32
      "tpu.region"() ({
        %run_scoped3A_314 = tpu.sem_alloc : memref<!tpu.dma_semaphore, #tpu.memory_space<semaphore_mem>>
        %dma_start3A_315 = arith.constant 0 : i32
        %dma_start3A_316 = tpu.memref_slice %arg8[%run_scoped3A_252, %dma_start3A_315] : memref<20x100xi32, #tpu.memory_space<vmem>> -> memref<1x100xi32, #tpu.memory_space<vmem>>
        %dma_start3A_317 = tpu.memref_squeeze %dma_start3A_316 : memref<1x100xi32, #tpu.memory_space<vmem>> -> memref<100xi32, #tpu.memory_space<vmem>>
        %dma_start3A_318 = arith.constant 0 : i32
        %dma_start3A_319 = arith.constant 0 : i32
        %dma_start3A_320 = tpu.memref_slice %arg12[%dma_start3A_318, %dma_start3A_319] : memref<10112x128xf32, #tpu.memory_space<vmem_shared>> -> memref<10112x128xf32, #tpu.memory_space<vmem_shared>>
        tpu.enqueue_indirect_dma source(%arg11 : memref<100x128xf32, #tpu.memory_space<vmem>>) target(%dma_start3A_320 : memref<10112x128xf32, #tpu.memory_space<vmem_shared>>) offsets(%dma_start3A_317 : memref<100xi32, #tpu.memory_space<vmem>>) semaphore(%run_scoped3A_314 : memref<!tpu.dma_semaphore, #tpu.memory_space<semaphore_mem>>) {add = true}
        %dma_wait3A_321 = arith.constant 0 : i32
        %dma_wait3A_322 = tpu.memref_slice %arg8[%run_scoped3A_252, %dma_wait3A_321] : memref<20x100xi32, #tpu.memory_space<vmem>> -> memref<1x100xi32, #tpu.memory_space<vmem>>
        %dma_wait3A_323 = tpu.memref_squeeze %dma_wait3A_322 : memref<1x100xi32, #tpu.memory_space<vmem>> -> memref<100xi32, #tpu.memory_space<vmem>>
        %dma_wait3A_324 = arith.constant 0 : i32
        %dma_wait3A_325 = arith.constant 0 : i32
        %dma_wait3A_326 = tpu.memref_slice %arg12[%dma_wait3A_324, %dma_wait3A_325] : memref<10112x128xf32, #tpu.memory_space<vmem_shared>> -> memref<10112x128xf32, #tpu.memory_space<vmem_shared>>
        tpu.wait_indirect_dma semaphore(%run_scoped3A_314 : memref<!tpu.dma_semaphore, #tpu.memory_space<semaphore_mem>>) src(%arg11 : memref<100x128xf32, #tpu.memory_space<vmem>>) dst(%dma_wait3A_326 : memref<10112x128xf32, #tpu.memory_space<vmem_shared>>)
        tpu.yield
      }) : () -> ()
      %dma_start3A_253 = arith.constant 17 : i32
      %dma_start3A_254 = arith.constant 0 : i32
      %dma_start3A_255 = tpu.memref_slice %arg7[%dma_start3A_253, %dma_start3A_254] : memref<20x100xi32, #tpu.memory_space<vmem>> -> memref<1x100xi32, #tpu.memory_space<vmem>>
      %dma_start3A_256 = tpu.memref_squeeze %dma_start3A_255 : memref<1x100xi32, #tpu.memory_space<vmem>> -> memref<100xi32, #tpu.memory_space<vmem>>
      %dma_start3A_257 = arith.constant 0 : i32
      %dma_start3A_258 = arith.constant 0 : i32
      %dma_start3A_259 = tpu.memref_slice %arg2[%dma_start3A_257, %dma_start3A_258] : memref<10000x128xf32, #tpu.memory_space<hbm>> -> memref<10000x128xf32, #tpu.memory_space<hbm>>
      tpu.enqueue_indirect_dma source(%dma_start3A_259 : memref<10000x128xf32, #tpu.memory_space<hbm>>) target(%arg11 : memref<100x128xf32, #tpu.memory_space<vmem>>) offsets(%dma_start3A_256 : memref<100xi32, #tpu.memory_space<vmem>>) semaphore(%arg15 : memref<!tpu.dma_semaphore, #tpu.memory_space<semaphore_mem>>)
      %dma_wait3A_260 = arith.constant 15 : i32
      %dma_wait3A_261 = arith.constant 0 : i32
      %dma_wait3A_262 = tpu.memref_slice %arg7[%dma_wait3A_260, %dma_wait3A_261] : memref<20x100xi32, #tpu.memory_space<vmem>> -> memref<1x100xi32, #tpu.memory_space<vmem>>
      %dma_wait3A_263 = tpu.memref_squeeze %dma_wait3A_262 : memref<1x100xi32, #tpu.memory_space<vmem>> -> memref<100xi32, #tpu.memory_space<vmem>>
      %dma_wait3A_264 = arith.constant 0 : i32
      %dma_wait3A_265 = arith.constant 0 : i32
      %dma_wait3A_266 = tpu.memref_slice %arg2[%dma_wait3A_264, %dma_wait3A_265] : memref<10000x128xf32, #tpu.memory_space<hbm>> -> memref<10000x128xf32, #tpu.memory_space<hbm>>
      tpu.wait_indirect_dma semaphore(%arg13 : memref<!tpu.dma_semaphore, #tpu.memory_space<semaphore_mem>>) src(%dma_wait3A_266 : memref<10000x128xf32, #tpu.memory_space<hbm>>) dst(%arg9 : memref<100x128xf32, #tpu.memory_space<vmem>>)
      %run_scoped3A_267 = arith.constant 15 : i32
      "tpu.region"() ({
        %run_scoped3A_314 = tpu.sem_alloc : memref<!tpu.dma_semaphore, #tpu.memory_space<semaphore_mem>>
        %dma_start3A_315 = arith.constant 0 : i32
        %dma_start3A_316 = tpu.memref_slice %arg8[%run_scoped3A_267, %dma_start3A_315] : memref<20x100xi32, #tpu.memory_space<vmem>> -> memref<1x100xi32, #tpu.memory_space<vmem>>
        %dma_start3A_317 = tpu.memref_squeeze %dma_start3A_316 : memref<1x100xi32, #tpu.memory_space<vmem>> -> memref<100xi32, #tpu.memory_space<vmem>>
        %dma_start3A_318 = arith.constant 0 : i32
        %dma_start3A_319 = arith.constant 0 : i32
        %dma_start3A_320 = tpu.memref_slice %arg12[%dma_start3A_318, %dma_start3A_319] : memref<10112x128xf32, #tpu.memory_space<vmem_shared>> -> memref<10112x128xf32, #tpu.memory_space<vmem_shared>>
        tpu.enqueue_indirect_dma source(%arg9 : memref<100x128xf32, #tpu.memory_space<vmem>>) target(%dma_start3A_320 : memref<10112x128xf32, #tpu.memory_space<vmem_shared>>) offsets(%dma_start3A_317 : memref<100xi32, #tpu.memory_space<vmem>>) semaphore(%run_scoped3A_314 : memref<!tpu.dma_semaphore, #tpu.memory_space<semaphore_mem>>) {add = true}
        %dma_wait3A_321 = arith.constant 0 : i32
        %dma_wait3A_322 = tpu.memref_slice %arg8[%run_scoped3A_267, %dma_wait3A_321] : memref<20x100xi32, #tpu.memory_space<vmem>> -> memref<1x100xi32, #tpu.memory_space<vmem>>
        %dma_wait3A_323 = tpu.memref_squeeze %dma_wait3A_322 : memref<1x100xi32, #tpu.memory_space<vmem>> -> memref<100xi32, #tpu.memory_space<vmem>>
        %dma_wait3A_324 = arith.constant 0 : i32
        %dma_wait3A_325 = arith.constant 0 : i32
        %dma_wait3A_326 = tpu.memref_slice %arg12[%dma_wait3A_324, %dma_wait3A_325] : memref<10112x128xf32, #tpu.memory_space<vmem_shared>> -> memref<10112x128xf32, #tpu.memory_space<vmem_shared>>
        tpu.wait_indirect_dma semaphore(%run_scoped3A_314 : memref<!tpu.dma_semaphore, #tpu.memory_space<semaphore_mem>>) src(%arg9 : memref<100x128xf32, #tpu.memory_space<vmem>>) dst(%dma_wait3A_326 : memref<10112x128xf32, #tpu.memory_space<vmem_shared>>)
        tpu.yield
      }) : () -> ()
      %dma_start3A_268 = arith.constant 18 : i32
      %dma_start3A_269 = arith.constant 0 : i32
      %dma_start3A_270 = tpu.memref_slice %arg7[%dma_start3A_268, %dma_start3A_269] : memref<20x100xi32, #tpu.memory_space<vmem>> -> memref<1x100xi32, #tpu.memory_space<vmem>>
      %dma_start3A_271 = tpu.memref_squeeze %dma_start3A_270 : memref<1x100xi32, #tpu.memory_space<vmem>> -> memref<100xi32, #tpu.memory_space<vmem>>
      %dma_start3A_272 = arith.constant 0 : i32
      %dma_start3A_273 = arith.constant 0 : i32
      %dma_start3A_274 = tpu.memref_slice %arg2[%dma_start3A_272, %dma_start3A_273] : memref<10000x128xf32, #tpu.memory_space<hbm>> -> memref<10000x128xf32, #tpu.memory_space<hbm>>
      tpu.enqueue_indirect_dma source(%dma_start3A_274 : memref<10000x128xf32, #tpu.memory_space<hbm>>) target(%arg9 : memref<100x128xf32, #tpu.memory_space<vmem>>) offsets(%dma_start3A_271 : memref<100xi32, #tpu.memory_space<vmem>>) semaphore(%arg13 : memref<!tpu.dma_semaphore, #tpu.memory_space<semaphore_mem>>)
      %dma_wait3A_275 = arith.constant 16 : i32
      %dma_wait3A_276 = arith.constant 0 : i32
      %dma_wait3A_277 = tpu.memref_slice %arg7[%dma_wait3A_275, %dma_wait3A_276] : memref<20x100xi32, #tpu.memory_space<vmem>> -> memref<1x100xi32, #tpu.memory_space<vmem>>
      %dma_wait3A_278 = tpu.memref_squeeze %dma_wait3A_277 : memref<1x100xi32, #tpu.memory_space<vmem>> -> memref<100xi32, #tpu.memory_space<vmem>>
      %dma_wait3A_279 = arith.constant 0 : i32
      %dma_wait3A_280 = arith.constant 0 : i32
      %dma_wait3A_281 = tpu.memref_slice %arg2[%dma_wait3A_279, %dma_wait3A_280] : memref<10000x128xf32, #tpu.memory_space<hbm>> -> memref<10000x128xf32, #tpu.memory_space<hbm>>
      tpu.wait_indirect_dma semaphore(%arg14 : memref<!tpu.dma_semaphore, #tpu.memory_space<semaphore_mem>>) src(%dma_wait3A_281 : memref<10000x128xf32, #tpu.memory_space<hbm>>) dst(%arg10 : memref<100x128xf32, #tpu.memory_space<vmem>>)
      %run_scoped3A_282 = arith.constant 16 : i32
      "tpu.region"() ({
        %run_scoped3A_314 = tpu.sem_alloc : memref<!tpu.dma_semaphore, #tpu.memory_space<semaphore_mem>>
        %dma_start3A_315 = arith.constant 0 : i32
        %dma_start3A_316 = tpu.memref_slice %arg8[%run_scoped3A_282, %dma_start3A_315] : memref<20x100xi32, #tpu.memory_space<vmem>> -> memref<1x100xi32, #tpu.memory_space<vmem>>
        %dma_start3A_317 = tpu.memref_squeeze %dma_start3A_316 : memref<1x100xi32, #tpu.memory_space<vmem>> -> memref<100xi32, #tpu.memory_space<vmem>>
        %dma_start3A_318 = arith.constant 0 : i32
        %dma_start3A_319 = arith.constant 0 : i32
        %dma_start3A_320 = tpu.memref_slice %arg12[%dma_start3A_318, %dma_start3A_319] : memref<10112x128xf32, #tpu.memory_space<vmem_shared>> -> memref<10112x128xf32, #tpu.memory_space<vmem_shared>>
        tpu.enqueue_indirect_dma source(%arg10 : memref<100x128xf32, #tpu.memory_space<vmem>>) target(%dma_start3A_320 : memref<10112x128xf32, #tpu.memory_space<vmem_shared>>) offsets(%dma_start3A_317 : memref<100xi32, #tpu.memory_space<vmem>>) semaphore(%run_scoped3A_314 : memref<!tpu.dma_semaphore, #tpu.memory_space<semaphore_mem>>) {add = true}
        %dma_wait3A_321 = arith.constant 0 : i32
        %dma_wait3A_322 = tpu.memref_slice %arg8[%run_scoped3A_282, %dma_wait3A_321] : memref<20x100xi32, #tpu.memory_space<vmem>> -> memref<1x100xi32, #tpu.memory_space<vmem>>
        %dma_wait3A_323 = tpu.memref_squeeze %dma_wait3A_322 : memref<1x100xi32, #tpu.memory_space<vmem>> -> memref<100xi32, #tpu.memory_space<vmem>>
        %dma_wait3A_324 = arith.constant 0 : i32
        %dma_wait3A_325 = arith.constant 0 : i32
        %dma_wait3A_326 = tpu.memref_slice %arg12[%dma_wait3A_324, %dma_wait3A_325] : memref<10112x128xf32, #tpu.memory_space<vmem_shared>> -> memref<10112x128xf32, #tpu.memory_space<vmem_shared>>
        tpu.wait_indirect_dma semaphore(%run_scoped3A_314 : memref<!tpu.dma_semaphore, #tpu.memory_space<semaphore_mem>>) src(%arg10 : memref<100x128xf32, #tpu.memory_space<vmem>>) dst(%dma_wait3A_326 : memref<10112x128xf32, #tpu.memory_space<vmem_shared>>)
        tpu.yield
      }) : () -> ()
      %dma_start3A_283 = arith.constant 19 : i32
      %dma_start3A_284 = arith.constant 0 : i32
      %dma_start3A_285 = tpu.memref_slice %arg7[%dma_start3A_283, %dma_start3A_284] : memref<20x100xi32, #tpu.memory_space<vmem>> -> memref<1x100xi32, #tpu.memory_space<vmem>>
      %dma_start3A_286 = tpu.memref_squeeze %dma_start3A_285 : memref<1x100xi32, #tpu.memory_space<vmem>> -> memref<100xi32, #tpu.memory_space<vmem>>
      %dma_start3A_287 = arith.constant 0 : i32
      %dma_start3A_288 = arith.constant 0 : i32
      %dma_start3A_289 = tpu.memref_slice %arg2[%dma_start3A_287, %dma_start3A_288] : memref<10000x128xf32, #tpu.memory_space<hbm>> -> memref<10000x128xf32, #tpu.memory_space<hbm>>
      tpu.enqueue_indirect_dma source(%dma_start3A_289 : memref<10000x128xf32, #tpu.memory_space<hbm>>) target(%arg10 : memref<100x128xf32, #tpu.memory_space<vmem>>) offsets(%dma_start3A_286 : memref<100xi32, #tpu.memory_space<vmem>>) semaphore(%arg14 : memref<!tpu.dma_semaphore, #tpu.memory_space<semaphore_mem>>)
      %dma_wait3A_290 = arith.constant 17 : i32
      %dma_wait3A_291 = arith.constant 0 : i32
      %dma_wait3A_292 = tpu.memref_slice %arg7[%dma_wait3A_290, %dma_wait3A_291] : memref<20x100xi32, #tpu.memory_space<vmem>> -> memref<1x100xi32, #tpu.memory_space<vmem>>
      %dma_wait3A_293 = tpu.memref_squeeze %dma_wait3A_292 : memref<1x100xi32, #tpu.memory_space<vmem>> -> memref<100xi32, #tpu.memory_space<vmem>>
      %dma_wait3A_294 = arith.constant 0 : i32
      %dma_wait3A_295 = arith.constant 0 : i32
      %dma_wait3A_296 = tpu.memref_slice %arg2[%dma_wait3A_294, %dma_wait3A_295] : memref<10000x128xf32, #tpu.memory_space<hbm>> -> memref<10000x128xf32, #tpu.memory_space<hbm>>
      tpu.wait_indirect_dma semaphore(%arg15 : memref<!tpu.dma_semaphore, #tpu.memory_space<semaphore_mem>>) src(%dma_wait3A_296 : memref<10000x128xf32, #tpu.memory_space<hbm>>) dst(%arg11 : memref<100x128xf32, #tpu.memory_space<vmem>>)
      %run_scoped3A_297 = arith.constant 17 : i32
      "tpu.region"() ({
        %run_scoped3A_314 = tpu.sem_alloc : memref<!tpu.dma_semaphore, #tpu.memory_space<semaphore_mem>>
        %dma_start3A_315 = arith.constant 0 : i32
        %dma_start3A_316 = tpu.memref_slice %arg8[%run_scoped3A_297, %dma_start3A_315] : memref<20x100xi32, #tpu.memory_space<vmem>> -> memref<1x100xi32, #tpu.memory_space<vmem>>
        %dma_start3A_317 = tpu.memref_squeeze %dma_start3A_316 : memref<1x100xi32, #tpu.memory_space<vmem>> -> memref<100xi32, #tpu.memory_space<vmem>>
        %dma_start3A_318 = arith.constant 0 : i32
        %dma_start3A_319 = arith.constant 0 : i32
        %dma_start3A_320 = tpu.memref_slice %arg12[%dma_start3A_318, %dma_start3A_319] : memref<10112x128xf32, #tpu.memory_space<vmem_shared>> -> memref<10112x128xf32, #tpu.memory_space<vmem_shared>>
        tpu.enqueue_indirect_dma source(%arg11 : memref<100x128xf32, #tpu.memory_space<vmem>>) target(%dma_start3A_320 : memref<10112x128xf32, #tpu.memory_space<vmem_shared>>) offsets(%dma_start3A_317 : memref<100xi32, #tpu.memory_space<vmem>>) semaphore(%run_scoped3A_314 : memref<!tpu.dma_semaphore, #tpu.memory_space<semaphore_mem>>) {add = true}
        %dma_wait3A_321 = arith.constant 0 : i32
        %dma_wait3A_322 = tpu.memref_slice %arg8[%run_scoped3A_297, %dma_wait3A_321] : memref<20x100xi32, #tpu.memory_space<vmem>> -> memref<1x100xi32, #tpu.memory_space<vmem>>
        %dma_wait3A_323 = tpu.memref_squeeze %dma_wait3A_322 : memref<1x100xi32, #tpu.memory_space<vmem>> -> memref<100xi32, #tpu.memory_space<vmem>>
        %dma_wait3A_324 = arith.constant 0 : i32
        %dma_wait3A_325 = arith.constant 0 : i32
        %dma_wait3A_326 = tpu.memref_slice %arg12[%dma_wait3A_324, %dma_wait3A_325] : memref<10112x128xf32, #tpu.memory_space<vmem_shared>> -> memref<10112x128xf32, #tpu.memory_space<vmem_shared>>
        tpu.wait_indirect_dma semaphore(%run_scoped3A_314 : memref<!tpu.dma_semaphore, #tpu.memory_space<semaphore_mem>>) src(%arg11 : memref<100x128xf32, #tpu.memory_space<vmem>>) dst(%dma_wait3A_326 : memref<10112x128xf32, #tpu.memory_space<vmem_shared>>)
        tpu.yield
      }) : () -> ()
      %dma_wait3A_298 = arith.constant 18 : i32
      %dma_wait3A_299 = arith.constant 0 : i32
      %dma_wait3A_300 = tpu.memref_slice %arg7[%dma_wait3A_298, %dma_wait3A_299] : memref<20x100xi32, #tpu.memory_space<vmem>> -> memref<1x100xi32, #tpu.memory_space<vmem>>
      %dma_wait3A_301 = tpu.memref_squeeze %dma_wait3A_300 : memref<1x100xi32, #tpu.memory_space<vmem>> -> memref<100xi32, #tpu.memory_space<vmem>>
      %dma_wait3A_302 = arith.constant 0 : i32
      %dma_wait3A_303 = arith.constant 0 : i32
      %dma_wait3A_304 = tpu.memref_slice %arg2[%dma_wait3A_302, %dma_wait3A_303] : memref<10000x128xf32, #tpu.memory_space<hbm>> -> memref<10000x128xf32, #tpu.memory_space<hbm>>
      tpu.wait_indirect_dma semaphore(%arg13 : memref<!tpu.dma_semaphore, #tpu.memory_space<semaphore_mem>>) src(%dma_wait3A_304 : memref<10000x128xf32, #tpu.memory_space<hbm>>) dst(%arg9 : memref<100x128xf32, #tpu.memory_space<vmem>>)
      %run_scoped3A_305 = arith.constant 18 : i32
      "tpu.region"() ({
        %run_scoped3A_314 = tpu.sem_alloc : memref<!tpu.dma_semaphore, #tpu.memory_space<semaphore_mem>>
        %dma_start3A_315 = arith.constant 0 : i32
        %dma_start3A_316 = tpu.memref_slice %arg8[%run_scoped3A_305, %dma_start3A_315] : memref<20x100xi32, #tpu.memory_space<vmem>> -> memref<1x100xi32, #tpu.memory_space<vmem>>
        %dma_start3A_317 = tpu.memref_squeeze %dma_start3A_316 : memref<1x100xi32, #tpu.memory_space<vmem>> -> memref<100xi32, #tpu.memory_space<vmem>>
        %dma_start3A_318 = arith.constant 0 : i32
        %dma_start3A_319 = arith.constant 0 : i32
        %dma_start3A_320 = tpu.memref_slice %arg12[%dma_start3A_318, %dma_start3A_319] : memref<10112x128xf32, #tpu.memory_space<vmem_shared>> -> memref<10112x128xf32, #tpu.memory_space<vmem_shared>>
        tpu.enqueue_indirect_dma source(%arg9 : memref<100x128xf32, #tpu.memory_space<vmem>>) target(%dma_start3A_320 : memref<10112x128xf32, #tpu.memory_space<vmem_shared>>) offsets(%dma_start3A_317 : memref<100xi32, #tpu.memory_space<vmem>>) semaphore(%run_scoped3A_314 : memref<!tpu.dma_semaphore, #tpu.memory_space<semaphore_mem>>) {add = true}
        %dma_wait3A_321 = arith.constant 0 : i32
        %dma_wait3A_322 = tpu.memref_slice %arg8[%run_scoped3A_305, %dma_wait3A_321] : memref<20x100xi32, #tpu.memory_space<vmem>> -> memref<1x100xi32, #tpu.memory_space<vmem>>
        %dma_wait3A_323 = tpu.memref_squeeze %dma_wait3A_322 : memref<1x100xi32, #tpu.memory_space<vmem>> -> memref<100xi32, #tpu.memory_space<vmem>>
        %dma_wait3A_324 = arith.constant 0 : i32
        %dma_wait3A_325 = arith.constant 0 : i32
        %dma_wait3A_326 = tpu.memref_slice %arg12[%dma_wait3A_324, %dma_wait3A_325] : memref<10112x128xf32, #tpu.memory_space<vmem_shared>> -> memref<10112x128xf32, #tpu.memory_space<vmem_shared>>
        tpu.wait_indirect_dma semaphore(%run_scoped3A_314 : memref<!tpu.dma_semaphore, #tpu.memory_space<semaphore_mem>>) src(%arg9 : memref<100x128xf32, #tpu.memory_space<vmem>>) dst(%dma_wait3A_326 : memref<10112x128xf32, #tpu.memory_space<vmem_shared>>)
        tpu.yield
      }) : () -> ()
      %dma_wait3A_306 = arith.constant 19 : i32
      %dma_wait3A_307 = arith.constant 0 : i32
      %dma_wait3A_308 = tpu.memref_slice %arg7[%dma_wait3A_306, %dma_wait3A_307] : memref<20x100xi32, #tpu.memory_space<vmem>> -> memref<1x100xi32, #tpu.memory_space<vmem>>
      %dma_wait3A_309 = tpu.memref_squeeze %dma_wait3A_308 : memref<1x100xi32, #tpu.memory_space<vmem>> -> memref<100xi32, #tpu.memory_space<vmem>>
      %dma_wait3A_310 = arith.constant 0 : i32
      %dma_wait3A_311 = arith.constant 0 : i32
      %dma_wait3A_312 = tpu.memref_slice %arg2[%dma_wait3A_310, %dma_wait3A_311] : memref<10000x128xf32, #tpu.memory_space<hbm>> -> memref<10000x128xf32, #tpu.memory_space<hbm>>
      tpu.wait_indirect_dma semaphore(%arg14 : memref<!tpu.dma_semaphore, #tpu.memory_space<semaphore_mem>>) src(%dma_wait3A_312 : memref<10000x128xf32, #tpu.memory_space<hbm>>) dst(%arg10 : memref<100x128xf32, #tpu.memory_space<vmem>>)
      %run_scoped3A_313 = arith.constant 19 : i32
      "tpu.region"() ({
        %run_scoped3A_314 = tpu.sem_alloc : memref<!tpu.dma_semaphore, #tpu.memory_space<semaphore_mem>>
        %dma_start3A_315 = arith.constant 0 : i32
        %dma_start3A_316 = tpu.memref_slice %arg8[%run_scoped3A_313, %dma_start3A_315] : memref<20x100xi32, #tpu.memory_space<vmem>> -> memref<1x100xi32, #tpu.memory_space<vmem>>
        %dma_start3A_317 = tpu.memref_squeeze %dma_start3A_316 : memref<1x100xi32, #tpu.memory_space<vmem>> -> memref<100xi32, #tpu.memory_space<vmem>>
        %dma_start3A_318 = arith.constant 0 : i32
        %dma_start3A_319 = arith.constant 0 : i32
        %dma_start3A_320 = tpu.memref_slice %arg12[%dma_start3A_318, %dma_start3A_319] : memref<10112x128xf32, #tpu.memory_space<vmem_shared>> -> memref<10112x128xf32, #tpu.memory_space<vmem_shared>>
        tpu.enqueue_indirect_dma source(%arg10 : memref<100x128xf32, #tpu.memory_space<vmem>>) target(%dma_start3A_320 : memref<10112x128xf32, #tpu.memory_space<vmem_shared>>) offsets(%dma_start3A_317 : memref<100xi32, #tpu.memory_space<vmem>>) semaphore(%run_scoped3A_314 : memref<!tpu.dma_semaphore, #tpu.memory_space<semaphore_mem>>) {add = true}
        %dma_wait3A_321 = arith.constant 0 : i32
        %dma_wait3A_322 = tpu.memref_slice %arg8[%run_scoped3A_313, %dma_wait3A_321] : memref<20x100xi32, #tpu.memory_space<vmem>> -> memref<1x100xi32, #tpu.memory_space<vmem>>
        %dma_wait3A_323 = tpu.memref_squeeze %dma_wait3A_322 : memref<1x100xi32, #tpu.memory_space<vmem>> -> memref<100xi32, #tpu.memory_space<vmem>>
        %dma_wait3A_324 = arith.constant 0 : i32
        %dma_wait3A_325 = arith.constant 0 : i32
        %dma_wait3A_326 = tpu.memref_slice %arg12[%dma_wait3A_324, %dma_wait3A_325] : memref<10112x128xf32, #tpu.memory_space<vmem_shared>> -> memref<10112x128xf32, #tpu.memory_space<vmem_shared>>
        tpu.wait_indirect_dma semaphore(%run_scoped3A_314 : memref<!tpu.dma_semaphore, #tpu.memory_space<semaphore_mem>>) src(%arg10 : memref<100x128xf32, #tpu.memory_space<vmem>>) dst(%dma_wait3A_326 : memref<10112x128xf32, #tpu.memory_space<vmem_shared>>)
        tpu.yield
      }) : () -> ()
    }
    %scan3A_6 = arith.constant 5 : i32
    %barrier3A_7 = arith.constant 0 : index
    tpu.barrier barrier_id(%barrier3A_7)
    %mul3A_8 = arith.constant 632 : i32
    %mul3A_9 = arith.muli %arg1, %mul3A_8 : i32
    %mul3A_10 = arith.constant 632 : i32
    %mul3A_11 = arith.muli %arg1, %mul3A_10 : i32
    "tpu.region"() ({
      %run_scoped3A = tpu.sem_alloc : memref<!tpu.dma_semaphore, #tpu.memory_space<semaphore_mem>>
      %dma_start3A = arith.constant 0 : i32
      %dma_start3A_12 = tpu.memref_slice %arg6[%arg0, %mul3A_11, %dma_start3A] : memref<2x10112x128xf32, #tpu.memory_space<hbm>> -> memref<1x632x128xf32, #tpu.memory_space<hbm>>
      %dma_start3A_13 = tpu.memref_squeeze %dma_start3A_12 : memref<1x632x128xf32, #tpu.memory_space<hbm>> -> memref<632x128xf32, #tpu.memory_space<hbm>>
      %dma_start3A_14 = arith.constant 0 : i32
      %dma_start3A_15 = tpu.memref_slice %arg12[%mul3A_9, %dma_start3A_14] : memref<10112x128xf32, #tpu.memory_space<vmem_shared>> -> memref<632x128xf32, #tpu.memory_space<vmem_shared>>
      tpu.enqueue_dma source(%dma_start3A_15 : memref<632x128xf32, #tpu.memory_space<vmem_shared>>) target(%dma_start3A_13 : memref<632x128xf32, #tpu.memory_space<hbm>>) target_semaphore(%run_scoped3A : memref<!tpu.dma_semaphore, #tpu.memory_space<semaphore_mem>>)
      %dma_wait3A = arith.constant 0 : i32
      %dma_wait3A_16 = tpu.memref_slice %arg6[%arg0, %mul3A_11, %dma_wait3A] : memref<2x10112x128xf32, #tpu.memory_space<hbm>> -> memref<1x632x128xf32, #tpu.memory_space<hbm>>
      %dma_wait3A_17 = tpu.memref_squeeze %dma_wait3A_16 : memref<1x632x128xf32, #tpu.memory_space<hbm>> -> memref<632x128xf32, #tpu.memory_space<hbm>>
      %dma_wait3A_18 = arith.constant 0 : i32
      %dma_wait3A_19 = tpu.memref_slice %arg12[%mul3A_9, %dma_wait3A_18] : memref<10112x128xf32, #tpu.memory_space<vmem_shared>> -> memref<632x128xf32, #tpu.memory_space<vmem_shared>>
      tpu.wait_dma2 semaphore(%run_scoped3A : memref<!tpu.dma_semaphore, #tpu.memory_space<semaphore_mem>>) src(%dma_wait3A_19 : memref<632x128xf32, #tpu.memory_space<vmem_shared>>) dst(%dma_wait3A_17 : memref<632x128xf32, #tpu.memory_space<hbm>>)
      tpu.yield
    }) : () -> ()
    return
  }
}

</mosaic_0001>

<sc_bundles>
// kernel: kernel.3.cloned.1.call-start
scs
__scs_entry_jumppad:
0x0: {  	(pc) =	sbr.rel $0x88, $3  }
0x1: {  	(tag) =	ssettag $0x0;
	lr =	simm.s32 $0x1  }
0x2: {  	[smem:$0x3F9F] =	sst lr;
	_ =	strace $0xD0000000  }
0x3: {  	_ = 	snop  }
0x4: {  	_ = 	snop  }
0x5: {  	_ = 	snop  }
0x6: {  	_ = 	snop  }
0x7: {  	_ = 	snop  }
__scs_overlays_trampoline_lowered:
0x8: {  	[smem:$0x3FAE] =	sst s0  }
0x9: {  	[smem:$0x3FAF] =	sst s1  }
0xa: {  	[smem:$0x3FB0] =	sst s2  }
0xb: {  	[smem:$0x3FB1] =	sst s3  }
0xc: {  	[smem:$0x3FB2] =	sst s4  }
0xd: {  	[smem:$0x3FB3] =	sst s5  }
0xe: {  	[smem:$0x3FB4] =	sst s6  }
0xf: {  	[smem:$0x3FB5] =	sst s7  }
0x10: {  	[smem:$0x3FB6] =	sst s8  }
0x11: {  	[smem:$0x3FB7] =	sst s9;
	s0 =	simm.s32 @!p0 $0x0  }
0x12: {  	s1 =	sld [smem:$0x3F9D];
	s0 =	simm.s32 @p0 $0x1  }
0x13: {  	[smem:$0x3FB8] =	sst s0;
	s0 =	simm.s32 @!p1 $0x0  }
0x14: {  	s2 =	sld [smem:$0x3F9C];
	s0 =	simm.s32 @p1 $0x1  }
0x15: {  	[smem:$0x3FB9] =	sst s0;
	s0 =	simm.s32 @!p2 $0x0  }
0x16: {  	s3 =	sld [smem:$0x3FDB];
	s0 =	simm.s32 @p2 $0x1  }
0x17: {  	s4 =	simm.s32 $0x1BF5;
	[smem:$0x3FBB] =	sst s0  }
0x18: {  	s0 =	sld [smem:$0x3F9E];
	_ =	swait.ge [sflag:s4], $0x0  }
0x19: {  	s7 =	sld [smem:$0x3F9F]  }
0x1a: {  	s8 =	sadd.s32 $0xFFFFE003, lr  }
0x1b: {  	s9 =	sadd.s32 $0xFFFFFEF7, lr;
	s5 =	simm.s32 $0xFFFFFFFF;
	p2 =	slt.u32 s8, $0xFFFFF086  }
0x1c: {  	p1 =	slt.u32 s9, $0xF7A;
	s5 =	simm.s32 @!p2 $0x0  }
0x1d: {  	s5 =	simm.s32 @p1 $0x1;
	p0 =	seq.s32 s7, s2  }
0x1e: {  	s7 =	smul.u32 @!p0 $0xF7A, s2;
	p2 =	seq.s32 @!p0 s5, $0x0  }
0x1f: {  	s9 =	smul.u32 $0xF7A, s1;
	s8 =	simm.s32 @!p0 $0x1BF5;
	p2 =	por !p2, p0  }
0x20: {  	[sflag:s8] =	ssyncset.s32 @!p0 $0xFFFFF086;
	s6 =	sadd.s32 @!p0 s3, s7;
	s7 =	simm.s32 @!p0 $0x108  }
0x21: {  	s3 =	sadd.s32 s3, s9;
	s6 =	sadd.s32 @!p0 $0x88, s6;
	s7 =	simm.s32 @p2 $0x1082  }
0x22: {  	[simem:s7], [sflag:s8] =	dma.local @!p0 [hbm:s6], $0xF7A  }
0x23: {  	s9 =	sor.u32 $0xD0000000, s2;
	s6 =	simm.s32 $0x108;
	_ =	swait.ge @!p0 [sflag:s8], $0x0  }
0x24: {  	s3 =	sadd.s32 $0x88, s3;
	s6 =	simm.s32 @!p1 $0x1082;
	[sflag:s4] =	ssyncset.s32 $0xFFFFF086  }
0x25: {  	[simem:s6], [sflag:s4] =	dma.local [hbm:s3], $0xF7A  }
0x26: {  	[smem:$0x3F9F] =	sst s1;
	(tag) =	ssettag s2;
	_ =	strace s9  }
0x27: {  	s1 =	sld [smem:$0x3FAF]  }
0x28: {  	s2 =	sld [smem:$0x3FB0]  }
0x29: {  	s4 =	sld [smem:$0x3FB2]  }
0x2a: {  	p0 =	seq.s32 s5, $0x0;
	s5 =	sld [smem:$0x3FB3]  }
0x2b: {  	s6 =	sld [smem:$0x3FB4]  }
0x2c: {  	s7 =	sld [smem:$0x3FB5]  }
0x2d: {  	s3 =	simm.s32 $0x108;
	s8 =	sld [smem:$0x3FB6]  }
0x2e: {  	s3 =	simm.s32 @!p0 $0x1082;
	s9 =	sld [smem:$0x3FB7]  }
0x2f: {  	lr =	sadd.s32 s0, s3;
	s0 =	sld [smem:$0x3FAE]  }
0x30: {  	s3 =	sld [smem:$0x3FB1]  }
0x31: {  	[smem:$0x3FBA] =	sst s10  }
0x32: {  	s10 =	sld [smem:$0x3FB8];
	_ =	sdelay $0x3  }
0x33: {  	p0 =	seq.s32 s10, $0x1;
	s10 =	sld [smem:$0x3FBA];
	_ =	sdelay $0x3  }
0x34: {  	[smem:$0x3FBA] =	sst s10  }
0x35: {  	s10 =	sld [smem:$0x3FB9];
	_ =	sdelay $0x3  }
0x36: {  	p1 =	seq.s32 s10, $0x1;
	s10 =	sld [smem:$0x3FBA];
	_ =	sdelay $0x3  }
0x37: {  	[smem:$0x3FBA] =	sst s10  }
0x38: {  	s10 =	sld [smem:$0x3FBB]  }
0x39: {  	_ = 	snop;
	(pc) =	sbr.ind lr, $3  }
0x3a: {  	_ = 	snop  }
0x3b: {  	_ = 	snop  }
0x3c: {  	p2 =	seq.s32 s10, $0x1;
	s10 =	sld [smem:$0x3FBA]  }
0x3d: {  	_ =	shalt  }
0x3e: {  	_ =	shalt  }
0x3f: {  	_ =	shalt  }
0x40: {  	_ =	shalt  }
0x41: {  	_ =	shalt  }
0x42: {  	_ =	shalt  }
0x43: {  	_ =	shalt  }
0x44: {  	_ =	shalt  }
0x45: {  	_ =	shalt  }
0x46: {  	_ =	shalt  }
0x47: {  	_ =	shalt  }
0x48: {  	_ =	shalt  }
0x49: {  	_ =	shalt  }
0x4a: {  	_ =	shalt  }
0x4b: {  	_ =	shalt  }
0x4c: {  	_ =	shalt  }
0x4d: {  	_ =	shalt  }
0x4e: {  	_ =	shalt  }
0x4f: {  	_ =	shalt  }
0x50: {  	_ =	shalt  }
0x51: {  	_ =	shalt  }
0x52: {  	_ =	shalt  }
0x53: {  	_ =	shalt  }
0x54: {  	_ =	shalt  }
0x55: {  	_ =	shalt  }
0x56: {  	_ =	shalt  }
0x57: {  	_ =	shalt  }
0x58: {  	_ =	shalt  }
0x59: {  	_ =	shalt  }
0x5a: {  	_ =	shalt  }
0x5b: {  	_ =	shalt  }
0x5c: {  	_ =	shalt  }
0x5d: {  	_ =	shalt  }
0x5e: {  	_ =	shalt  }
0x5f: {  	_ =	shalt  }
0x60: {  	_ =	shalt  }
0x61: {  	_ =	shalt  }
0x62: {  	_ =	shalt  }
0x63: {  	_ =	shalt  }
0x64: {  	_ =	shalt  }
0x65: {  	_ =	shalt  }
0x66: {  	_ =	shalt  }
0x67: {  	_ =	shalt  }
0x68: {  	_ =	shalt  }
0x69: {  	_ =	shalt  }
0x6a: {  	_ =	shalt  }
0x6b: {  	_ =	shalt  }
0x6c: {  	_ =	shalt  }
0x6d: {  	_ =	shalt  }
0x6e: {  	_ =	shalt  }
0x6f: {  	_ =	shalt  }
0x70: {  	_ =	shalt  }
0x71: {  	_ =	shalt  }
0x72: {  	_ =	shalt  }
0x73: {  	_ =	shalt  }
0x74: {  	_ =	shalt  }
0x75: {  	_ =	shalt  }
0x76: {  	_ =	shalt  }
0x77: {  	_ =	shalt  }
0x78: {  	_ =	shalt  }
0x79: {  	_ =	shalt  }
0x7a: {  	_ =	shalt  }
0x7b: {  	_ =	shalt  }
0x7c: {  	_ =	shalt  }
0x7d: {  	_ =	shalt  }
0x7e: {  	_ =	shalt  }
0x7f: {  	_ =	shalt  }
0x80: {  	_ =	shalt  }
0x81: {  	_ =	shalt  }
0x82: {  	_ =	shalt  }
0x83: {  	_ =	shalt  }
0x84: {  	_ =	shalt  }
0x85: {  	_ =	shalt  }
0x86: {  	_ =	shalt  }
0x87: {  	_ =	shalt  }
.Lfunc_end0:
.L_simem_size_0:
called_computation_lowered:
.L_overlay_start_0:
0x88: {  	s2 =	sld [smem:$0x3FD9]  }
0x89: {  	s3 =	sld [smem:$0x3FFE];
	_ =	sdelay $0x1  }
0x8a: {  	s1 =	srdreg.scid  }
0x8b: {  	s0 =	sand.u32 $0x1, s1  }
0x8c: {  	s17 =	sshll.u32 s0, $0xA;
	s2 =	sadd.s32 s3, s2  }
0x8d: {  	s2 =	sadd.s32 s2, s17  }
0x8e: {  	[smem:$0x3FC6] =	sst s2  }
0x8f: {  	_ = 	snop  }
0x90: {  	s2 =	sld [smem:$0x3FC9]  }
0x91: {  	s18 =	sld [smem:$0x3FD0];
	(tm) =	ssettm $0x1  }
0x92: {  	s4 =	sld [smem:$0x3FFB];
	_ =	sdelay $0x3  }
0x93: {  	_ =	strace s4  }
0x94: {  	s4 =	sld [smem:$0x3FFC];
	_ =	sdelay $0x3  }
0x95: {  	_ =	strace s4  }
0x96: {  	s4 =	sld [smem:$0x3FFD];
	_ =	sdelay $0x3  }
0x97: {  	_ =	strace s4  }
0x98: {  	_ =	strace $0x8FFFFFFF  }
0x99: {  	s19 =	sld [smem:$0x3FDB];
	_ =	sdelay $0x1  }
0x9a: {  	s5 =	simm.s32 $_scs_section_size  }
0x9b: {  	s6 =	simm.s32 $_size__tile_overlayer_lowered;
	s7 =	simm.s32 $_tile_overlayer_lowered  }
0x9c: {  	s22 =	simm.s32 $0x1BFF;
	s21 =	sshll.u32 s7, $0x1;
	s4 =	sadd.s32 s5, s19  }
0x9d: {  	s8 =	simm.s32 $0x0;
	s20 =	sshll.u32 s6, $0x1;
	s6 =	sadd.s32 s21, s4  }
0x9e: {  	[timem:s8], [sflag:s22] =	dma.local [hbm:s6], s20  }
0x9f: {  	_ =	swait.ge [sflag:s22], s20  }
0xa0: {  	s5 =	ssub.s32 $0x0, s20;
	[sflag:s22] =	ssyncset.done $0x0  }
0xa1: {  	[sflag:s22] =	ssyncadd.s32 s5;
	_ =	sdelay $0x1  }
0xa2: {  	s23 =	simm.s32 $0x1B8B  }
0xa3: {  	_ =	swait.ge [sflag:s23], $0x1  }
0xa4: {  	[sflag:s23] =	ssyncset.done $0x0  }
0xa5: {  	s25 =	simm.s32 $0x1B8E;
	s24 =	sld [smem:$0x3FFE];
	[sflag:s23] =	ssyncadd.s32 $0xFFFFFFFF  }
0xa6: {  	s26 =	simm.s32 $execute0_lowered;
	[smem:$0x3FD2] =	sst s25  }
0xa7: {  	s6 =	sshll.u32 s26, $0x1;
	_ =	strace $0x80000046;
	[dreg:$0x1] =	wrdreg $0xFFFFFFFF  }
0xa8: {  	s28 =	simm.s32 $_size_execute0_lowered;
	s4 =	sadd.s32 s4, s6;
	[dreg:$0x0] =	wrdreg $0x0  }
0xa9: {  	s6 =	sshll.u32 s28, $0x1;
	[dreg:$0x2] =	wrdreg s4  }
0xaa: {  	[dreg:$0x3] =	wrdreg s6  }
0xab: {  	[dreg:$0x4] =	wrdreg $0xC0  }
0xac: {  	_ =	task [dreg:s8], $0x5FFFF  }
0xad: {  	[dreg:$0x1] =	wrdreg $0xFFFFFFFF  }
0xae: {  	[dreg:$0x0] =	wrdreg $0x60  }
0xaf: {  	[dreg:$0x2] =	wrdreg s2  }
0xb0: {  	[dreg:$0x3] =	wrdreg s24  }
0xb1: {  	[dreg:$0x4] =	wrdreg s18  }
0xb2: {  	[dreg:$0x5] =	wrdreg $0xB4000  }
0xb3: {  	[dreg:$0x6] =	wrdreg $0x9  }
0xb4: {  	_ =	task.clear_ibuf [dreg:s8], $0x7FFFF;
	_ =	strace $0x90000046  }
0xb5: {  	s29 =	simm.s32 $0x9;
	_ =	strace $0x80000048  }
0xb6: {  	_ =	swait.ge [sflag:s29], $0x1  }
0xb7: {  	[sflag:s29] =	ssyncadd.s32 $0xFFFFFFFF  }
0xb8: {  	_ =	strace $0x90000048  }
0xb9: {  	_ =	sfence  }
0xba: {  	s30 =	sld [smem:$0x0];
	_ =	sdelay $0x2  }
0xbb: {  	s31 =	sshll.u32 s1, $0xD;
	s1 =	sshrl.u32 s1, $0x2  }
0xbc: {  	s3 =	sand.u32 $0x4000, s31;
	s1 =	sadd.s32 s1, s30  }
0xbd: {  	s0 =	sor.u32 s3, s0;
	s1 =	sshll.u32 s1, $0x11  }
0xbe: {  	s0 =	sor.u32 s1, s0  }
0xbf: {  	s0 =	sadd.s32 $0x8F2B, s0  }
0xc0: {  	[sflag:s0] =	ssyncadd.remote.s32 $0x1  }
0xc1: {  	_ =	sfence.sel $0xFFFF  }
0xc2: {  	[dreg:$0x0] =	wrdreg $0xFFFFFFFF;
	(pc) =	sbr.abs _section_cstart, $3  }
0xc3: {  	[dreg:$0x1] =	wrdreg $0xFFFFFFFF  }
0xc4: {  	_ =	task.clear_ibuf [dreg:s8], $0x2FFFF;
	_ =	strace $0x9FFFFFFF  }
0xc5: {  	(tm) =	ssettm $0x7FFFFFFF  }
tec
execute0_lowered:
.L_overlay_start_1:
0x0: {  	(tag) =	ssettag $0x1  }
0x1: {  	s0 =	srdreg.scid  }
0x2: {  	s1 =	rddreg [dreg:$0x0];
	s10 =	stileid.u32  }
0x3: {  	s6 =	rddreg [dreg:$0x1];
	s0 =	sand.u32 $0x1, s0;
	s4 =	smul.u32 $0x3C00, s10  }
0x4: {  	s7 =	rddreg [dreg:$0x2];
	s2 =	smul.u32 $0x3C000, s0  }
0x5: {  	s3 =	rddreg [dreg:$0x3];
	s15 =	simm.s32 $0x80;
	s16 =	simm.s32 $0x100  }
0x6: {  	s18 =	simm.s32 $0x180;
	s2 =	sadd.s32 s4, s2;
	s4 =	simm.s32 $0x0  }
0x7: {  	s19 =	simm.s32 $0xC80;
	s20 =	simm.s32 $0x200;
	[smem:$0x7FF] =	sst s4  }
0x8: {  	s21 =	simm.s32 $0xD00;
	_ =	strace $0x80000047;
	[dreg:$0x6] =	wrdreg s15  }
0x9: {  	s23 =	simm.s32 $0x280;
	s24 =	simm.s32 $0xD80;
	[dreg:$0x7] =	wrdreg s16  }
0xa: {  	s26 =	simm.s32 $0x300;
	s11 =	simm.s32 $0xE00;
	[dreg:$0x8] =	wrdreg s18  }
0xb: {  	s12 =	simm.s32 $0x380;
	s13 =	simm.s32 $0xE80;
	[dreg:$0x9] =	wrdreg s19  }
0xc: {  	s14 =	simm.s32 $0x400;
	s28 =	simm.s32 $0x1380;
	[dreg:$0xa] =	wrdreg s20  }
0xd: {  	s29 =	simm.s32 $0x900;
	s30 =	simm.s32 $0x1400;
	[dreg:$0xb] =	wrdreg s21  }
0xe: {  	s31 =	simm.s32 $0x980;
	s9 =	smul.u32 $0x4F000, s10;
	[dreg:$0xc] =	wrdreg s23  }
0xf: {  	s25 =	sshll.u32 s10, $0x6;
	s10 =	smul.u32 $0x13C00, s10;
	[dreg:$0xd] =	wrdreg s24  }
0x10: {  	s17 =	ssub.s32 $0x2, s0;
	s0 =	smul.u32 $0x13C000, s0;
	[dreg:$0xe] =	wrdreg s26  }
0x11: {  	s8 =	sshrl.u32 s17, $0x1;
	s22 =	sshrl.u32 s9, $0x2;
	[dreg:$0xf] =	wrdreg s11  }
0x12: {  	s9 =	sor.u32 $0x1C04, s25;
	s25 =	simm.s32 $0x680;
	[dreg:$0x10] =	wrdreg s12  }
0x13: {  	s0 =	sadd.s32 s10, s0;
	s10 =	simm.s32 $0x0;
	[dreg:$0x11] =	wrdreg s13  }
0x14: {  	s2 =	sshrl.u32 s2, $0x3;
	s0 =	sshrl.u32 s0, $0x3;
	[dreg:$0x12] =	wrdreg s14  }
0x15: {  	s5 =	sadd.s32 s2, s6;
	s6 =	sadd.s32 $0x1E000, s6;
	[dreg:$0x1c] =	wrdreg s25  }
0x16: {  	s15 =	simm.s32 $0xF00;
	s0 =	sadd.s32 s7, s0;
	[dreg:$0x1f] =	wrdreg s9  }
0x17: {  	s16 =	simm.s32 $0x480;
	s18 =	simm.s32 $0xF80;
	[dreg:$0x1e] =	wrdreg s6  }
0x18: {  	s19 =	simm.s32 $0x500;
	s11 =	simm.s32 $0x4;
	[smem:$0x7FB] =	sst s0  }
0x19: {  	s20 =	simm.s32 $0x1000;
	s12 =	simm.s32 $0xC00;
	[dreg:$0x13] =	wrdreg s15  }
0x1a: {  	s21 =	simm.s32 $0x580;
	s13 =	simm.s32 $0x64;
	[dreg:$0x14] =	wrdreg s16  }
0x1b: {  	s14 =	simm.s32 $0x1800;
	s23 =	simm.s32 $0x600;
	[dreg:$0x15] =	wrdreg s18  }
0x1c: {  	s24 =	simm.s32 $0x1100;
	s26 =	simm.s32 $0x1180;
	[dreg:$0x16] =	wrdreg s19  }
0x1d: {  	s25 =	simm.s32 $0x1300;
	s2 =	sadd.s32 $0xF000, s5;
	[dreg:$0x17] =	wrdreg s20  }
0x1e: {  	s6 =	ssub.s32 s17, s8;
	s8 =	sadd.s32 s22, s3;
	[dreg:$0x18] =	wrdreg s21  }
0x1f: {  	s22 =	simm.s32 $0x1080;
	s15 =	simm.s32 $0x4C00;
	[dreg:$0x1a] =	wrdreg s23  }
0x20: {  	s16 =	simm.s32 $0x8000;
	[dreg:$0x1b] =	wrdreg s24;
	s18 =	simm.s32 $0x2  }
0x21: {  	s19 =	simm.s32 $0x3;
	[dreg:$0x1d] =	wrdreg s26;
	s20 =	simm.s32 $0x700  }
0x22: {  	s21 =	simm.s32 $0x1200;
	s23 =	simm.s32 $0x1280;
	s24 =	simm.s32 $0x800  }
0x23: {  	s26 =	simm.s32 $0x880;
	s0 =	simm.s32 $0x1500;
	[dreg:$0x5] =	wrdreg s2  }
0x24: {  	s17 =	smax.u32 s6, $0x1;
	s8 =	sshrl.u32 s8, $0x3;
	[dreg:$0x19] =	wrdreg s22  }
0x25: {  	s22 =	simm.s32 $0x780;
	s2 =	simm.s32 $0x1480;
	[smem:$0x7FC] =	sst s17  }
0x26: {  	s6 =	simm.s32 $0x1580;
	s17 =	simm.s32 $0x1;
	[smem:$0x7FD] =	sst s8  }
.LBB2_1:
0x27: {  	[smem:$0x7FA] =	sst s10  }
0x28: {  	s7 =	rddreg [dreg:$0x1e]  }
0x29: {  	[spmem:s8], [sflag:s9] =	dma.local [hbm:s7], $0x2780  }
0x2a: {  	_ =	swait.ge [sflag:s11], $0x2780  }
0x2b: {  	[sflag:s11] =	ssyncset.done $0x0  }
0x2c: {  	[sflag:s11] =	ssyncadd.s32 $0xFFFFD880  }
0x2d: {  	[bflag:$0x0] =	sbarrier.arrive $0xFFFF  }
0x2e: {  	s8 =	rddreg [dreg:$0x5]  }
0x2f: {  	s7 =	sadd.s32 $0x0, s8  }
0x30: {  	[tilespmem:s4], [sflag:$0x4] =	stream.linear.gather [hbm4b:s7+s4], $0xA00, $0x38;
	[tilespmem:$0x1F000] =	vst v63  }
0x31: {  	_ =	swait.ge [sflag:s11], $0xA00  }
0x32: {  	[sflag:s11] =	ssyncset.done $0x0  }
0x33: {  	s9 =	sadd.s32 $0x0, s5;
	[sflag:s11] =	ssyncadd.s32 $0xFFFFF600  }
0x34: {  	[tilespmem:s12], [sflag:$0x4] =	stream.linear.gather [hbm4b:s9+s4], $0xA00, $0x38;
	[tilespmem:$0x1F000] =	vst v63  }
0x35: {  	_ =	swait.ge [sflag:s11], $0xA00  }
0x36: {  	[sflag:s11] =	ssyncset.done $0x0  }
0x37: {  	[sflag:s11] =	ssyncadd.s32 $0xFFFFF600  }
0x38: {  	[tilespmem:s14], [sflag:$0x1] =	stream.indirect.gather [hbm4b:s1+s13], $0x80, s4, s13, $0xb8;
	[tilespmem:$0x1F000] =	vst v63  }
0x39: {  	s10 =	rddreg [dreg:$0x6]  }
0x3a: {  	[tilespmem:s15], [sflag:$0x2] =	stream.indirect.gather [hbm4b:s1+s13], $0x80, s10, s13, $0xb8;
	[tilespmem:$0x1F000] =	vst v63  }
0x3b: {  	s8 =	rddreg [dreg:$0x7]  }
0x3c: {  	[tilespmem:s16], [sflag:$0x3] =	stream.indirect.gather [hbm4b:s1+s13], $0x80, s8, s13, $0xb8;
	[tilespmem:$0x1F000] =	vst v63  }
0x3d: {  	_ =	swait.ge [sflag:s17], $0x3200  }
0x3e: {  	[sflag:s17] =	ssyncset.done $0x0  }
0x3f: {  	[sflag:s17] =	ssyncadd.s32 $0xFFFFCE00  }
0x40: {  	[spmem:s3] =	stream.indirect.scatter.add.f32 [tilespmem:s14], [sflag:$0x4], $0x80, s12, s13, $0xb8;
	[tilespmem:$0x1F000] =	vst v63  }
0x41: {  	_ =	swait.ge [sflag:s11], $0x3200  }
0x42: {  	[sflag:s11] =	ssyncset.done $0x0  }
0x43: {  	s10 =	rddreg [dreg:$0x8];
	[sflag:s11] =	ssyncadd.s32 $0xFFFFCE00  }
0x44: {  	[tilespmem:s14], [sflag:$0x1] =	stream.indirect.gather [hbm4b:s1+s13], $0x80, s10, s13, $0xb8;
	[tilespmem:$0x1F000] =	vst v63  }
0x45: {  	_ =	swait.ge [sflag:s18], $0x3200  }
0x46: {  	[sflag:s18] =	ssyncset.done $0x0  }
0x47: {  	s8 =	rddreg [dreg:$0x9];
	[sflag:s18] =	ssyncadd.s32 $0xFFFFCE00  }
0x48: {  	[spmem:s3] =	stream.indirect.scatter.add.f32 [tilespmem:s15], [sflag:$0x4], $0x80, s8, s13, $0xb8;
	[tilespmem:$0x1F000] =	vst v63  }
0x49: {  	_ =	swait.ge [sflag:s11], $0x3200  }
0x4a: {  	[sflag:s11] =	ssyncset.done $0x0  }
0x4b: {  	s9 =	rddreg [dreg:$0xa];
	[sflag:s11] =	ssyncadd.s32 $0xFFFFCE00  }
0x4c: {  	[tilespmem:s15], [sflag:$0x2] =	stream.indirect.gather [hbm4b:s1+s13], $0x80, s9, s13, $0xb8;
	[tilespmem:$0x1F000] =	vst v63  }
0x4d: {  	_ =	swait.ge [sflag:s19], $0x3200  }
0x4e: {  	[sflag:s19] =	ssyncset.done $0x0  }
0x4f: {  	s10 =	rddreg [dreg:$0xb];
	[sflag:s19] =	ssyncadd.s32 $0xFFFFCE00  }
0x50: {  	[spmem:s3] =	stream.indirect.scatter.add.f32 [tilespmem:s16], [sflag:$0x4], $0x80, s10, s13, $0xb8;
	[tilespmem:$0x1F000] =	vst v63  }
0x51: {  	_ =	swait.ge [sflag:s11], $0x3200  }
0x52: {  	[sflag:s11] =	ssyncset.done $0x0  }
0x53: {  	s8 =	rddreg [dreg:$0xc];
	[sflag:s11] =	ssyncadd.s32 $0xFFFFCE00  }
0x54: {  	[tilespmem:s16], [sflag:$0x3] =	stream.indirect.gather [hbm4b:s1+s13], $0x80, s8, s13, $0xb8;
	[tilespmem:$0x1F000] =	vst v63  }
0x55: {  	_ =	swait.ge [sflag:s17], $0x3200  }
0x56: {  	[sflag:s17] =	ssyncset.done $0x0  }
0x57: {  	s9 =	rddreg [dreg:$0xd];
	[sflag:s17] =	ssyncadd.s32 $0xFFFFCE00  }
0x58: {  	[spmem:s3] =	stream.indirect.scatter.add.f32 [tilespmem:s14], [sflag:$0x4], $0x80, s9, s13, $0xb8;
	[tilespmem:$0x1F000] =	vst v63  }
0x59: {  	_ =	swait.ge [sflag:s11], $0x3200  }
0x5a: {  	[sflag:s11] =	ssyncset.done $0x0  }
0x5b: {  	s10 =	rddreg [dreg:$0xe];
	[sflag:s11] =	ssyncadd.s32 $0xFFFFCE00  }
0x5c: {  	[tilespmem:s14], [sflag:$0x1] =	stream.indirect.gather [hbm4b:s1+s13], $0x80, s10, s13, $0xb8;
	[tilespmem:$0x1F000] =	vst v63  }
0x5d: {  	_ =	swait.ge [sflag:s18], $0x3200  }
0x5e: {  	[sflag:s18] =	ssyncset.done $0x0  }
0x5f: {  	s8 =	rddreg [dreg:$0xf];
	[sflag:s18] =	ssyncadd.s32 $0xFFFFCE00  }
0x60: {  	[spmem:s3] =	stream.indirect.scatter.add.f32 [tilespmem:s15], [sflag:$0x4], $0x80, s8, s13, $0xb8;
	[tilespmem:$0x1F000] =	vst v63  }
0x61: {  	_ =	swait.ge [sflag:s11], $0x3200  }
0x62: {  	[sflag:s11] =	ssyncset.done $0x0  }
0x63: {  	s9 =	rddreg [dreg:$0x10];
	[sflag:s11] =	ssyncadd.s32 $0xFFFFCE00  }
0x64: {  	[tilespmem:s15], [sflag:$0x2] =	stream.indirect.gather [hbm4b:s1+s13], $0x80, s9, s13, $0xb8;
	[tilespmem:$0x1F000] =	vst v63  }
0x65: {  	_ =	swait.ge [sflag:s19], $0x3200  }
0x66: {  	[sflag:s19] =	ssyncset.done $0x0  }
0x67: {  	s10 =	rddreg [dreg:$0x11];
	[sflag:s19] =	ssyncadd.s32 $0xFFFFCE00  }
0x68: {  	[spmem:s3] =	stream.indirect.scatter.add.f32 [tilespmem:s16], [sflag:$0x4], $0x80, s10, s13, $0xb8;
	[tilespmem:$0x1F000] =	vst v63  }
0x69: {  	_ =	swait.ge [sflag:s11], $0x3200  }
0x6a: {  	[sflag:s11] =	ssyncset.done $0x0  }
0x6b: {  	s8 =	rddreg [dreg:$0x12];
	[sflag:s11] =	ssyncadd.s32 $0xFFFFCE00  }
0x6c: {  	[tilespmem:s16], [sflag:$0x3] =	stream.indirect.gather [hbm4b:s1+s13], $0x80, s8, s13, $0xb8;
	[tilespmem:$0x1F000] =	vst v63  }
0x6d: {  	_ =	swait.ge [sflag:s17], $0x3200  }
0x6e: {  	[sflag:s17] =	ssyncset.done $0x0  }
0x6f: {  	s9 =	rddreg [dreg:$0x13];
	[sflag:s17] =	ssyncadd.s32 $0xFFFFCE00  }
0x70: {  	[spmem:s3] =	stream.indirect.scatter.add.f32 [tilespmem:s14], [sflag:$0x4], $0x80, s9, s13, $0xb8;
	[tilespmem:$0x1F000] =	vst v63  }
0x71: {  	_ =	swait.ge [sflag:s11], $0x3200  }
0x72: {  	[sflag:s11] =	ssyncset.done $0x0  }
0x73: {  	s10 =	rddreg [dreg:$0x14];
	[sflag:s11] =	ssyncadd.s32 $0xFFFFCE00  }
0x74: {  	[tilespmem:s14], [sflag:$0x1] =	stream.indirect.gather [hbm4b:s1+s13], $0x80, s10, s13, $0xb8;
	[tilespmem:$0x1F000] =	vst v63  }
0x75: {  	_ =	swait.ge [sflag:s18], $0x3200  }
0x76: {  	[sflag:s18] =	ssyncset.done $0x0  }
0x77: {  	s8 =	rddreg [dreg:$0x15];
	[sflag:s18] =	ssyncadd.s32 $0xFFFFCE00  }
0x78: {  	[spmem:s3] =	stream.indirect.scatter.add.f32 [tilespmem:s15], [sflag:$0x4], $0x80, s8, s13, $0xb8;
	[tilespmem:$0x1F000] =	vst v63  }
0x79: {  	_ =	swait.ge [sflag:s11], $0x3200  }
0x7a: {  	[sflag:s11] =	ssyncset.done $0x0  }
0x7b: {  	s9 =	rddreg [dreg:$0x16];
	[sflag:s11] =	ssyncadd.s32 $0xFFFFCE00  }
0x7c: {  	[tilespmem:s15], [sflag:$0x2] =	stream.indirect.gather [hbm4b:s1+s13], $0x80, s9, s13, $0xb8;
	[tilespmem:$0x1F000] =	vst v63  }
0x7d: {  	_ =	swait.ge [sflag:s19], $0x3200  }
0x7e: {  	[sflag:s19] =	ssyncset.done $0x0  }
0x7f: {  	s10 =	rddreg [dreg:$0x17];
	[sflag:s19] =	ssyncadd.s32 $0xFFFFCE00  }
0x80: {  	[spmem:s3] =	stream.indirect.scatter.add.f32 [tilespmem:s16], [sflag:$0x4], $0x80, s10, s13, $0xb8;
	[tilespmem:$0x1F000] =	vst v63  }
0x81: {  	_ =	swait.ge [sflag:s11], $0x3200  }
0x82: {  	[sflag:s11] =	ssyncset.done $0x0  }
0x83: {  	s8 =	rddreg [dreg:$0x18];
	[sflag:s11] =	ssyncadd.s32 $0xFFFFCE00  }
0x84: {  	[tilespmem:s16], [sflag:$0x3] =	stream.indirect.gather [hbm4b:s1+s13], $0x80, s8, s13, $0xb8;
	[tilespmem:$0x1F000] =	vst v63  }
0x85: {  	_ =	swait.ge [sflag:s17], $0x3200  }
0x86: {  	[sflag:s17] =	ssyncset.done $0x0  }
0x87: {  	s9 =	rddreg [dreg:$0x19];
	[sflag:s17] =	ssyncadd.s32 $0xFFFFCE00  }
0x88: {  	[spmem:s3] =	stream.indirect.scatter.add.f32 [tilespmem:s14], [sflag:$0x4], $0x80, s9, s13, $0xb8;
	[tilespmem:$0x1F000] =	vst v63  }
0x89: {  	_ =	swait.ge [sflag:s11], $0x3200  }
0x8a: {  	[sflag:s11] =	ssyncset.done $0x0  }
0x8b: {  	s10 =	rddreg [dreg:$0x1a];
	[sflag:s11] =	ssyncadd.s32 $0xFFFFCE00  }
0x8c: {  	[tilespmem:s14], [sflag:$0x1] =	stream.indirect.gather [hbm4b:s1+s13], $0x80, s10, s13, $0xb8;
	[tilespmem:$0x1F000] =	vst v63  }
0x8d: {  	_ =	swait.ge [sflag:s18], $0x3200  }
0x8e: {  	[sflag:s18] =	ssyncset.done $0x0  }
0x8f: {  	s8 =	rddreg [dreg:$0x1b];
	[sflag:s18] =	ssyncadd.s32 $0xFFFFCE00  }
0x90: {  	[spmem:s3] =	stream.indirect.scatter.add.f32 [tilespmem:s15], [sflag:$0x4], $0x80, s8, s13, $0xb8;
	[tilespmem:$0x1F000] =	vst v63  }
0x91: {  	_ =	swait.ge [sflag:s11], $0x3200  }
0x92: {  	[sflag:s11] =	ssyncset.done $0x0  }
0x93: {  	s9 =	rddreg [dreg:$0x1c];
	[sflag:s11] =	ssyncadd.s32 $0xFFFFCE00  }
0x94: {  	[tilespmem:s15], [sflag:$0x2] =	stream.indirect.gather [hbm4b:s1+s13], $0x80, s9, s13, $0xb8;
	[tilespmem:$0x1F000] =	vst v63  }
0x95: {  	_ =	swait.ge [sflag:s19], $0x3200  }
0x96: {  	[sflag:s19] =	ssyncset.done $0x0  }
0x97: {  	s10 =	rddreg [dreg:$0x1d];
	[sflag:s19] =	ssyncadd.s32 $0xFFFFCE00  }
0x98: {  	[spmem:s3] =	stream.indirect.scatter.add.f32 [tilespmem:s16], [sflag:$0x4], $0x80, s10, s13, $0xb8;
	[tilespmem:$0x1F000] =	vst v63  }
0x99: {  	_ =	swait.ge [sflag:s11], $0x3200  }
0x9a: {  	[sflag:s11] =	ssyncset.done $0x0  }
0x9b: {  	[sflag:s11] =	ssyncadd.s32 $0xFFFFCE00  }
0x9c: {  	[tilespmem:s16], [sflag:$0x3] =	stream.indirect.gather [hbm4b:s1+s13], $0x80, s20, s13, $0xb8;
	[tilespmem:$0x1F000] =	vst v63  }
0x9d: {  	_ =	swait.ge [sflag:s17], $0x3200  }
0x9e: {  	[sflag:s17] =	ssyncset.done $0x0  }
0x9f: {  	[sflag:s17] =	ssyncadd.s32 $0xFFFFCE00  }
0xa0: {  	[spmem:s3] =	stream.indirect.scatter.add.f32 [tilespmem:s14], [sflag:$0x4], $0x80, s21, s13, $0xb8;
	[tilespmem:$0x1F000] =	vst v63  }
0xa1: {  	_ =	swait.ge [sflag:s11], $0x3200  }
0xa2: {  	[sflag:s11] =	ssyncset.done $0x0  }
0xa3: {  	[sflag:s11] =	ssyncadd.s32 $0xFFFFCE00  }
0xa4: {  	[tilespmem:s14], [sflag:$0x1] =	stream.indirect.gather [hbm4b:s1+s13], $0x80, s22, s13, $0xb8;
	[tilespmem:$0x1F000] =	vst v63  }
0xa5: {  	_ =	swait.ge [sflag:s18], $0x3200  }
0xa6: {  	[sflag:s18] =	ssyncset.done $0x0  }
0xa7: {  	[sflag:s18] =	ssyncadd.s32 $0xFFFFCE00  }
0xa8: {  	[spmem:s3] =	stream.indirect.scatter.add.f32 [tilespmem:s15], [sflag:$0x4], $0x80, s23, s13, $0xb8;
	[tilespmem:$0x1F000] =	vst v63  }
0xa9: {  	_ =	swait.ge [sflag:s11], $0x3200  }
0xaa: {  	[sflag:s11] =	ssyncset.done $0x0  }
0xab: {  	[sflag:s11] =	ssyncadd.s32 $0xFFFFCE00  }
0xac: {  	[tilespmem:s15], [sflag:$0x2] =	stream.indirect.gather [hbm4b:s1+s13], $0x80, s24, s13, $0xb8;
	[tilespmem:$0x1F000] =	vst v63  }
0xad: {  	_ =	swait.ge [sflag:s19], $0x3200  }
0xae: {  	[sflag:s19] =	ssyncset.done $0x0  }
0xaf: {  	[sflag:s19] =	ssyncadd.s32 $0xFFFFCE00  }
0xb0: {  	[spmem:s3] =	stream.indirect.scatter.add.f32 [tilespmem:s16], [sflag:$0x4], $0x80, s25, s13, $0xb8;
	[tilespmem:$0x1F000] =	vst v63  }
0xb1: {  	_ =	swait.ge [sflag:s11], $0x3200  }
0xb2: {  	[sflag:s11] =	ssyncset.done $0x0  }
0xb3: {  	[sflag:s11] =	ssyncadd.s32 $0xFFFFCE00  }
0xb4: {  	[tilespmem:s16], [sflag:$0x3] =	stream.indirect.gather [hbm4b:s1+s13], $0x80, s26, s13, $0xb8;
	[tilespmem:$0x1F000] =	vst v63  }
0xb5: {  	_ =	swait.ge [sflag:s17], $0x3200  }
0xb6: {  	[sflag:s17] =	ssyncset.done $0x0  }
0xb7: {  	[sflag:s17] =	ssyncadd.s32 $0xFFFFCE00  }
0xb8: {  	[spmem:s3] =	stream.indirect.scatter.add.f32 [tilespmem:s14], [sflag:$0x4], $0x80, s28, s13, $0xb8;
	[tilespmem:$0x1F000] =	vst v63  }
0xb9: {  	_ =	swait.ge [sflag:s11], $0x3200  }
0xba: {  	[sflag:s11] =	ssyncset.done $0x0  }
0xbb: {  	[sflag:s11] =	ssyncadd.s32 $0xFFFFCE00  }
0xbc: {  	[tilespmem:s14], [sflag:$0x1] =	stream.indirect.gather [hbm4b:s1+s13], $0x80, s29, s13, $0xb8;
	[tilespmem:$0x1F000] =	vst v63  }
0xbd: {  	_ =	swait.ge [sflag:s18], $0x3200  }
0xbe: {  	[sflag:s18] =	ssyncset.done $0x0  }
0xbf: {  	[sflag:s18] =	ssyncadd.s32 $0xFFFFCE00  }
0xc0: {  	[spmem:s3] =	stream.indirect.scatter.add.f32 [tilespmem:s15], [sflag:$0x4], $0x80, s30, s13, $0xb8;
	[tilespmem:$0x1F000] =	vst v63  }
0xc1: {  	_ =	swait.ge [sflag:s11], $0x3200  }
0xc2: {  	[sflag:s11] =	ssyncset.done $0x0  }
0xc3: {  	[sflag:s11] =	ssyncadd.s32 $0xFFFFCE00  }
0xc4: {  	[tilespmem:s15], [sflag:$0x2] =	stream.indirect.gather [hbm4b:s1+s13], $0x80, s31, s13, $0xb8;
	[tilespmem:$0x1F000] =	vst v63  }
0xc5: {  	_ =	swait.ge [sflag:s19], $0x3200  }
0xc6: {  	[sflag:s19] =	ssyncset.done $0x0  }
0xc7: {  	[sflag:s19] =	ssyncadd.s32 $0xFFFFCE00  }
0xc8: {  	[spmem:s3] =	stream.indirect.scatter.add.f32 [tilespmem:s16], [sflag:$0x4], $0x80, s2, s13, $0xb8;
	[tilespmem:$0x1F000] =	vst v63  }
0xc9: {  	_ =	swait.ge [sflag:s11], $0x3200  }
0xca: {  	[sflag:s11] =	ssyncset.done $0x0  }
0xcb: {  	[sflag:s11] =	ssyncadd.s32 $0xFFFFCE00  }
0xcc: {  	_ =	swait.ge [sflag:s17], $0x3200  }
0xcd: {  	[sflag:s17] =	ssyncset.done $0x0  }
0xce: {  	[sflag:s17] =	ssyncadd.s32 $0xFFFFCE00  }
0xcf: {  	[spmem:s3] =	stream.indirect.scatter.add.f32 [tilespmem:s14], [sflag:$0x4], $0x80, s0, s13, $0xb8;
	[tilespmem:$0x1F000] =	vst v63  }
0xd0: {  	_ =	swait.ge [sflag:s11], $0x3200  }
0xd1: {  	[sflag:s11] =	ssyncset.done $0x0  }
0xd2: {  	[sflag:s11] =	ssyncadd.s32 $0xFFFFCE00  }
0xd3: {  	_ =	swait.ge [sflag:s18], $0x3200  }
0xd4: {  	[sflag:s18] =	ssyncset.done $0x0  }
0xd5: {  	[sflag:s18] =	ssyncadd.s32 $0xFFFFCE00  }
0xd6: {  	[spmem:s3] =	stream.indirect.scatter.add.f32 [tilespmem:s15], [sflag:$0x4], $0x80, s6, s13, $0xb8;
	[tilespmem:$0x1F000] =	vst v63  }
0xd7: {  	s7 =	simm.s32 $0x300;
	_ =	swait.ge [sflag:s11], $0x3200  }
0xd8: {  	s9 =	simm.s32 $0x180;
	s10 =	rddreg [dreg:$0x5];
	[sflag:s11] =	ssyncset.done $0x0  }
.LBB2_2:
0xd9: {  	[sflag:s11] =	ssyncadd.s32 $0xFFFFCE00;
	s10 =	sadd.s32 s9, s10  }
0xda: {  	[tilespmem:s4], [sflag:$0x4] =	stream.linear.gather [hbm4b:s10+s4], $0xA00, $0x38;
	[tilespmem:$0x1F000] =	vst v63  }
0xdb: {  	_ =	swait.ge [sflag:s11], $0xA00  }
0xdc: {  	[sflag:s11] =	ssyncset.done $0x0  }
0xdd: {  	s10 =	sadd.s32 s9, s5;
	[sflag:s11] =	ssyncadd.s32 $0xFFFFF600  }
0xde: {  	[tilespmem:s12], [sflag:$0x4] =	stream.linear.gather [hbm4b:s10+s4], $0xA00, $0x38;
	[tilespmem:$0x1F000] =	vst v63  }
0xdf: {  	_ =	swait.ge [sflag:s11], $0xA00  }
0xe0: {  	[sflag:s11] =	ssyncset.done $0x0  }
0xe1: {  	s8 =	smov.u32 s7;
	[sflag:s11] =	ssyncadd.s32 $0xFFFFF600  }
0xe2: {  	[tilespmem:s14], [sflag:$0x1] =	stream.indirect.gather [hbm4b:s1+s13], $0x80, s4, s13, $0xb8;
	[tilespmem:$0x1F000] =	vst v63  }
0xe3: {  	s9 =	smov.u32 s8;
	s8 =	rddreg [dreg:$0x6]  }
0xe4: {  	[tilespmem:s15], [sflag:$0x2] =	stream.indirect.gather [hbm4b:s1+s13], $0x80, s8, s13, $0xb8;
	[tilespmem:$0x1F000] =	vst v63  }
0xe5: {  	s10 =	rddreg [dreg:$0x7]  }
0xe6: {  	[tilespmem:s16], [sflag:$0x3] =	stream.indirect.gather [hbm4b:s1+s13], $0x80, s10, s13, $0xb8;
	[tilespmem:$0x1F000] =	vst v63  }
0xe7: {  	_ =	swait.ge [sflag:s17], $0x3200  }
0xe8: {  	[sflag:s17] =	ssyncset.done $0x0  }
0xe9: {  	[sflag:s17] =	ssyncadd.s32 $0xFFFFCE00  }
0xea: {  	[spmem:s3] =	stream.indirect.scatter.add.f32 [tilespmem:s14], [sflag:$0x4], $0x80, s12, s13, $0xb8;
	[tilespmem:$0x1F000] =	vst v63  }
0xeb: {  	_ =	swait.ge [sflag:s11], $0x3200  }
0xec: {  	[sflag:s11] =	ssyncset.done $0x0  }
0xed: {  	s10 =	rddreg [dreg:$0x8];
	[sflag:s11] =	ssyncadd.s32 $0xFFFFCE00  }
0xee: {  	[tilespmem:s14], [sflag:$0x1] =	stream.indirect.gather [hbm4b:s1+s13], $0x80, s10, s13, $0xb8;
	[tilespmem:$0x1F000] =	vst v63  }
0xef: {  	_ =	swait.ge [sflag:s18], $0x3200  }
0xf0: {  	[sflag:s18] =	ssyncset.done $0x0  }
0xf1: {  	s10 =	rddreg [dreg:$0x9];
	[sflag:s18] =	ssyncadd.s32 $0xFFFFCE00  }
0xf2: {  	[spmem:s3] =	stream.indirect.scatter.add.f32 [tilespmem:s15], [sflag:$0x4], $0x80, s10, s13, $0xb8;
	[tilespmem:$0x1F000] =	vst v63  }
0xf3: {  	_ =	swait.ge [sflag:s11], $0x3200  }
0xf4: {  	[sflag:s11] =	ssyncset.done $0x0  }
0xf5: {  	s10 =	rddreg [dreg:$0xa];
	[sflag:s11] =	ssyncadd.s32 $0xFFFFCE00  }
0xf6: {  	[tilespmem:s15], [sflag:$0x2] =	stream.indirect.gather [hbm4b:s1+s13], $0x80, s10, s13, $0xb8;
	[tilespmem:$0x1F000] =	vst v63  }
0xf7: {  	_ =	swait.ge [sflag:s19], $0x3200  }
0xf8: {  	[sflag:s19] =	ssyncset.done $0x0  }
0xf9: {  	s10 =	rddreg [dreg:$0xb];
	[sflag:s19] =	ssyncadd.s32 $0xFFFFCE00  }
0xfa: {  	[spmem:s3] =	stream.indirect.scatter.add.f32 [tilespmem:s16], [sflag:$0x4], $0x80, s10, s13, $0xb8;
	[tilespmem:$0x1F000] =	vst v63  }
0xfb: {  	_ =	swait.ge [sflag:s11], $0x3200  }
0xfc: {  	[sflag:s11] =	ssyncset.done $0x0  }
0xfd: {  	s10 =	rddreg [dreg:$0xc];
	[sflag:s11] =	ssyncadd.s32 $0xFFFFCE00  }
0xfe: {  	[tilespmem:s16], [sflag:$0x3] =	stream.indirect.gather [hbm4b:s1+s13], $0x80, s10, s13, $0xb8;
	[tilespmem:$0x1F000] =	vst v63  }
0xff: {  	_ =	swait.ge [sflag:s17], $0x3200  }
0x100: {  	[sflag:s17] =	ssyncset.done $0x0  }
0x101: {  	s10 =	rddreg [dreg:$0xd];
	[sflag:s17] =	ssyncadd.s32 $0xFFFFCE00  }
0x102: {  	[spmem:s3] =	stream.indirect.scatter.add.f32 [tilespmem:s14], [sflag:$0x4], $0x80, s10, s13, $0xb8;
	[tilespmem:$0x1F000] =	vst v63  }
0x103: {  	_ =	swait.ge [sflag:s11], $0x3200  }
0x104: {  	[sflag:s11] =	ssyncset.done $0x0  }
0x105: {  	s10 =	rddreg [dreg:$0xe];
	[sflag:s11] =	ssyncadd.s32 $0xFFFFCE00  }
0x106: {  	[tilespmem:s14], [sflag:$0x1] =	stream.indirect.gather [hbm4b:s1+s13], $0x80, s10, s13, $0xb8;
	[tilespmem:$0x1F000] =	vst v63  }
0x107: {  	_ =	swait.ge [sflag:s18], $0x3200  }
0x108: {  	[sflag:s18] =	ssyncset.done $0x0  }
0x109: {  	s10 =	rddreg [dreg:$0xf];
	[sflag:s18] =	ssyncadd.s32 $0xFFFFCE00  }
0x10a: {  	[spmem:s3] =	stream.indirect.scatter.add.f32 [tilespmem:s15], [sflag:$0x4], $0x80, s10, s13, $0xb8;
	[tilespmem:$0x1F000] =	vst v63  }
0x10b: {  	_ =	swait.ge [sflag:s11], $0x3200  }
0x10c: {  	[sflag:s11] =	ssyncset.done $0x0  }
0x10d: {  	s10 =	rddreg [dreg:$0x10];
	[sflag:s11] =	ssyncadd.s32 $0xFFFFCE00  }
0x10e: {  	[tilespmem:s15], [sflag:$0x2] =	stream.indirect.gather [hbm4b:s1+s13], $0x80, s10, s13, $0xb8;
	[tilespmem:$0x1F000] =	vst v63  }
0x10f: {  	_ =	swait.ge [sflag:s19], $0x3200  }
0x110: {  	[sflag:s19] =	ssyncset.done $0x0  }
0x111: {  	s10 =	rddreg [dreg:$0x11];
	[sflag:s19] =	ssyncadd.s32 $0xFFFFCE00  }
0x112: {  	[spmem:s3] =	stream.indirect.scatter.add.f32 [tilespmem:s16], [sflag:$0x4], $0x80, s10, s13, $0xb8;
	[tilespmem:$0x1F000] =	vst v63  }
0x113: {  	_ =	swait.ge [sflag:s11], $0x3200  }
0x114: {  	[sflag:s11] =	ssyncset.done $0x0  }
0x115: {  	s10 =	rddreg [dreg:$0x12];
	[sflag:s11] =	ssyncadd.s32 $0xFFFFCE00  }
0x116: {  	[tilespmem:s16], [sflag:$0x3] =	stream.indirect.gather [hbm4b:s1+s13], $0x80, s10, s13, $0xb8;
	[tilespmem:$0x1F000] =	vst v63  }
0x117: {  	_ =	swait.ge [sflag:s17], $0x3200  }
0x118: {  	[sflag:s17] =	ssyncset.done $0x0  }
0x119: {  	s10 =	rddreg [dreg:$0x13];
	[sflag:s17] =	ssyncadd.s32 $0xFFFFCE00  }
0x11a: {  	[spmem:s3] =	stream.indirect.scatter.add.f32 [tilespmem:s14], [sflag:$0x4], $0x80, s10, s13, $0xb8;
	[tilespmem:$0x1F000] =	vst v63  }
0x11b: {  	_ =	swait.ge [sflag:s11], $0x3200  }
0x11c: {  	[sflag:s11] =	ssyncset.done $0x0  }
0x11d: {  	s10 =	rddreg [dreg:$0x14];
	[sflag:s11] =	ssyncadd.s32 $0xFFFFCE00  }
0x11e: {  	[tilespmem:s14], [sflag:$0x1] =	stream.indirect.gather [hbm4b:s1+s13], $0x80, s10, s13, $0xb8;
	[tilespmem:$0x1F000] =	vst v63  }
0x11f: {  	_ =	swait.ge [sflag:s18], $0x3200  }
0x120: {  	[sflag:s18] =	ssyncset.done $0x0  }
0x121: {  	s10 =	rddreg [dreg:$0x15];
	[sflag:s18] =	ssyncadd.s32 $0xFFFFCE00  }
0x122: {  	[spmem:s3] =	stream.indirect.scatter.add.f32 [tilespmem:s15], [sflag:$0x4], $0x80, s10, s13, $0xb8;
	[tilespmem:$0x1F000] =	vst v63  }
0x123: {  	_ =	swait.ge [sflag:s11], $0x3200  }
0x124: {  	[sflag:s11] =	ssyncset.done $0x0  }
0x125: {  	s10 =	rddreg [dreg:$0x16];
	[sflag:s11] =	ssyncadd.s32 $0xFFFFCE00  }
0x126: {  	[tilespmem:s15], [sflag:$0x2] =	stream.indirect.gather [hbm4b:s1+s13], $0x80, s10, s13, $0xb8;
	[tilespmem:$0x1F000] =	vst v63  }
0x127: {  	_ =	swait.ge [sflag:s19], $0x3200  }
0x128: {  	[sflag:s19] =	ssyncset.done $0x0  }
0x129: {  	s10 =	rddreg [dreg:$0x17];
	[sflag:s19] =	ssyncadd.s32 $0xFFFFCE00  }
0x12a: {  	[spmem:s3] =	stream.indirect.scatter.add.f32 [tilespmem:s16], [sflag:$0x4], $0x80, s10, s13, $0xb8;
	[tilespmem:$0x1F000] =	vst v63  }
0x12b: {  	_ =	swait.ge [sflag:s11], $0x3200  }
0x12c: {  	[sflag:s11] =	ssyncset.done $0x0  }
0x12d: {  	s10 =	rddreg [dreg:$0x18];
	[sflag:s11] =	ssyncadd.s32 $0xFFFFCE00  }
0x12e: {  	[tilespmem:s16], [sflag:$0x3] =	stream.indirect.gather [hbm4b:s1+s13], $0x80, s10, s13, $0xb8;
	[tilespmem:$0x1F000] =	vst v63  }
0x12f: {  	_ =	swait.ge [sflag:s17], $0x3200  }
0x130: {  	[sflag:s17] =	ssyncset.done $0x0  }
0x131: {  	s10 =	rddreg [dreg:$0x19];
	[sflag:s17] =	ssyncadd.s32 $0xFFFFCE00  }
0x132: {  	[spmem:s3] =	stream.indirect.scatter.add.f32 [tilespmem:s14], [sflag:$0x4], $0x80, s10, s13, $0xb8;
	[tilespmem:$0x1F000] =	vst v63  }
0x133: {  	_ =	swait.ge [sflag:s11], $0x3200  }
0x134: {  	[sflag:s11] =	ssyncset.done $0x0  }
0x135: {  	s10 =	rddreg [dreg:$0x1a];
	[sflag:s11] =	ssyncadd.s32 $0xFFFFCE00  }
0x136: {  	[tilespmem:s14], [sflag:$0x1] =	stream.indirect.gather [hbm4b:s1+s13], $0x80, s10, s13, $0xb8;
	[tilespmem:$0x1F000] =	vst v63  }
0x137: {  	_ =	swait.ge [sflag:s18], $0x3200  }
0x138: {  	[sflag:s18] =	ssyncset.done $0x0  }
0x139: {  	s10 =	rddreg [dreg:$0x1b];
	[sflag:s18] =	ssyncadd.s32 $0xFFFFCE00  }
0x13a: {  	[spmem:s3] =	stream.indirect.scatter.add.f32 [tilespmem:s15], [sflag:$0x4], $0x80, s10, s13, $0xb8;
	[tilespmem:$0x1F000] =	vst v63  }
0x13b: {  	_ =	swait.ge [sflag:s11], $0x3200  }
0x13c: {  	[sflag:s11] =	ssyncset.done $0x0  }
0x13d: {  	s10 =	rddreg [dreg:$0x1c];
	[sflag:s11] =	ssyncadd.s32 $0xFFFFCE00  }
0x13e: {  	[tilespmem:s15], [sflag:$0x2] =	stream.indirect.gather [hbm4b:s1+s13], $0x80, s10, s13, $0xb8;
	[tilespmem:$0x1F000] =	vst v63  }
0x13f: {  	_ =	swait.ge [sflag:s19], $0x3200  }
0x140: {  	[sflag:s19] =	ssyncset.done $0x0  }
0x141: {  	s10 =	rddreg [dreg:$0x1d];
	[sflag:s19] =	ssyncadd.s32 $0xFFFFCE00  }
0x142: {  	[spmem:s3] =	stream.indirect.scatter.add.f32 [tilespmem:s16], [sflag:$0x4], $0x80, s10, s13, $0xb8;
	[tilespmem:$0x1F000] =	vst v63  }
0x143: {  	_ =	swait.ge [sflag:s11], $0x3200  }
0x144: {  	[sflag:s11] =	ssyncset.done $0x0  }
0x145: {  	[sflag:s11] =	ssyncadd.s32 $0xFFFFCE00  }
0x146: {  	[tilespmem:s16], [sflag:$0x3] =	stream.indirect.gather [hbm4b:s1+s13], $0x80, s20, s13, $0xb8;
	[tilespmem:$0x1F000] =	vst v63  }
0x147: {  	_ =	swait.ge [sflag:s17], $0x3200  }
0x148: {  	[sflag:s17] =	ssyncset.done $0x0  }
0x149: {  	[sflag:s17] =	ssyncadd.s32 $0xFFFFCE00  }
0x14a: {  	[spmem:s3] =	stream.indirect.scatter.add.f32 [tilespmem:s14], [sflag:$0x4], $0x80, s21, s13, $0xb8;
	[tilespmem:$0x1F000] =	vst v63  }
0x14b: {  	_ =	swait.ge [sflag:s11], $0x3200  }
0x14c: {  	[sflag:s11] =	ssyncset.done $0x0  }
0x14d: {  	[sflag:s11] =	ssyncadd.s32 $0xFFFFCE00  }
0x14e: {  	[tilespmem:s14], [sflag:$0x1] =	stream.indirect.gather [hbm4b:s1+s13], $0x80, s22, s13, $0xb8;
	[tilespmem:$0x1F000] =	vst v63  }
0x14f: {  	_ =	swait.ge [sflag:s18], $0x3200  }
0x150: {  	[sflag:s18] =	ssyncset.done $0x0  }
0x151: {  	[sflag:s18] =	ssyncadd.s32 $0xFFFFCE00  }
0x152: {  	[spmem:s3] =	stream.indirect.scatter.add.f32 [tilespmem:s15], [sflag:$0x4], $0x80, s23, s13, $0xb8;
	[tilespmem:$0x1F000] =	vst v63  }
0x153: {  	_ =	swait.ge [sflag:s11], $0x3200  }
0x154: {  	[sflag:s11] =	ssyncset.done $0x0  }
0x155: {  	[sflag:s11] =	ssyncadd.s32 $0xFFFFCE00  }
0x156: {  	[tilespmem:s15], [sflag:$0x2] =	stream.indirect.gather [hbm4b:s1+s13], $0x80, s24, s13, $0xb8;
	[tilespmem:$0x1F000] =	vst v63  }
0x157: {  	_ =	swait.ge [sflag:s19], $0x3200  }
0x158: {  	[sflag:s19] =	ssyncset.done $0x0  }
0x159: {  	[sflag:s19] =	ssyncadd.s32 $0xFFFFCE00  }
0x15a: {  	[spmem:s3] =	stream.indirect.scatter.add.f32 [tilespmem:s16], [sflag:$0x4], $0x80, s25, s13, $0xb8;
	[tilespmem:$0x1F000] =	vst v63  }
0x15b: {  	_ =	swait.ge [sflag:s11], $0x3200  }
0x15c: {  	[sflag:s11] =	ssyncset.done $0x0  }
0x15d: {  	[sflag:s11] =	ssyncadd.s32 $0xFFFFCE00  }
0x15e: {  	[tilespmem:s16], [sflag:$0x3] =	stream.indirect.gather [hbm4b:s1+s13], $0x80, s26, s13, $0xb8;
	[tilespmem:$0x1F000] =	vst v63  }
0x15f: {  	_ =	swait.ge [sflag:s17], $0x3200  }
0x160: {  	[sflag:s17] =	ssyncset.done $0x0  }
0x161: {  	[sflag:s17] =	ssyncadd.s32 $0xFFFFCE00  }
0x162: {  	[spmem:s3] =	stream.indirect.scatter.add.f32 [tilespmem:s14], [sflag:$0x4], $0x80, s28, s13, $0xb8;
	[tilespmem:$0x1F000] =	vst v63  }
0x163: {  	_ =	swait.ge [sflag:s11], $0x3200  }
0x164: {  	[sflag:s11] =	ssyncset.done $0x0  }
0x165: {  	[sflag:s11] =	ssyncadd.s32 $0xFFFFCE00  }
0x166: {  	[tilespmem:s14], [sflag:$0x1] =	stream.indirect.gather [hbm4b:s1+s13], $0x80, s29, s13, $0xb8;
	[tilespmem:$0x1F000] =	vst v63  }
0x167: {  	_ =	swait.ge [sflag:s18], $0x3200  }
0x168: {  	[sflag:s18] =	ssyncset.done $0x0  }
0x169: {  	[sflag:s18] =	ssyncadd.s32 $0xFFFFCE00  }
0x16a: {  	[spmem:s3] =	stream.indirect.scatter.add.f32 [tilespmem:s15], [sflag:$0x4], $0x80, s30, s13, $0xb8;
	[tilespmem:$0x1F000] =	vst v63  }
0x16b: {  	_ =	swait.ge [sflag:s11], $0x3200  }
0x16c: {  	[sflag:s11] =	ssyncset.done $0x0  }
0x16d: {  	[sflag:s11] =	ssyncadd.s32 $0xFFFFCE00  }
0x16e: {  	[tilespmem:s15], [sflag:$0x2] =	stream.indirect.gather [hbm4b:s1+s13], $0x80, s31, s13, $0xb8;
	[tilespmem:$0x1F000] =	vst v63  }
0x16f: {  	_ =	swait.ge [sflag:s19], $0x3200  }
0x170: {  	[sflag:s19] =	ssyncset.done $0x0  }
0x171: {  	[sflag:s19] =	ssyncadd.s32 $0xFFFFCE00  }
0x172: {  	[spmem:s3] =	stream.indirect.scatter.add.f32 [tilespmem:s16], [sflag:$0x4], $0x80, s2, s13, $0xb8;
	[tilespmem:$0x1F000] =	vst v63  }
0x173: {  	_ =	swait.ge [sflag:s11], $0x3200  }
0x174: {  	[sflag:s11] =	ssyncset.done $0x0  }
0x175: {  	[sflag:s11] =	ssyncadd.s32 $0xFFFFCE00  }
0x176: {  	_ =	swait.ge [sflag:s17], $0x3200  }
0x177: {  	[sflag:s17] =	ssyncset.done $0x0  }
0x178: {  	[sflag:s17] =	ssyncadd.s32 $0xFFFFCE00  }
0x179: {  	[spmem:s3] =	stream.indirect.scatter.add.f32 [tilespmem:s14], [sflag:$0x4], $0x80, s0, s13, $0xb8;
	[tilespmem:$0x1F000] =	vst v63  }
0x17a: {  	_ =	swait.ge [sflag:s11], $0x3200  }
0x17b: {  	[sflag:s11] =	ssyncset.done $0x0  }
0x17c: {  	[sflag:s11] =	ssyncadd.s32 $0xFFFFCE00  }
0x17d: {  	p0 =	sne.s32 s7, $0x600;
	_ =	swait.ge [sflag:s18], $0x3200  }
.Ltmp0:
0x17e: {  	[sflag:s18] =	ssyncset.done $0x0;
	(pc) =	sbr.rel @p0 .LBB2_2-.Ltmp0, $4  }
0x17f: {  	[sflag:s18] =	ssyncadd.s32 $0xFFFFCE00  }
0x180: {  	[spmem:s3] =	stream.indirect.scatter.add.f32 [tilespmem:s15], [sflag:$0x4], $0x80, s6, s13, $0xb8;
	[tilespmem:$0x1F000] =	vst v63  }
0x181: {  	_ =	swait.ge [sflag:s11], $0x3200  }
0x182: {  	s7 =	sadd.s32 $0x180, s7;
	s10 =	rddreg [dreg:$0x5];
	[sflag:s11] =	ssyncset.done $0x0  }
0x183: {  	[sflag:s11] =	ssyncadd.s32 $0xFFFFCE00;
	s7 =	sadd.s32 s9, s10  }
0x184: {  	[tilespmem:s4], [sflag:$0x4] =	stream.linear.gather [hbm4b:s7+s4], $0xA00, $0x38;
	[tilespmem:$0x1F000] =	vst v63  }
0x185: {  	_ =	swait.ge [sflag:s11], $0xA00  }
0x186: {  	[sflag:s11] =	ssyncset.done $0x0  }
0x187: {  	s9 =	sadd.s32 s9, s5;
	[sflag:s11] =	ssyncadd.s32 $0xFFFFF600  }
0x188: {  	[tilespmem:s12], [sflag:$0x4] =	stream.linear.gather [hbm4b:s9+s4], $0xA00, $0x38;
	[tilespmem:$0x1F000] =	vst v63  }
0x189: {  	_ =	swait.ge [sflag:s11], $0xA00  }
0x18a: {  	[sflag:s11] =	ssyncset.done $0x0  }
0x18b: {  	[sflag:s11] =	ssyncadd.s32 $0xFFFFF600  }
0x18c: {  	[tilespmem:s14], [sflag:$0x1] =	stream.indirect.gather [hbm4b:s1+s13], $0x80, s4, s13, $0xb8;
	[tilespmem:$0x1F000] =	vst v63  }
0x18d: {  	s10 =	rddreg [dreg:$0x6]  }
0x18e: {  	[tilespmem:s15], [sflag:$0x2] =	stream.indirect.gather [hbm4b:s1+s13], $0x80, s10, s13, $0xb8;
	[tilespmem:$0x1F000] =	vst v63  }
0x18f: {  	s8 =	rddreg [dreg:$0x7]  }
0x190: {  	[tilespmem:s16], [sflag:$0x3] =	stream.indirect.gather [hbm4b:s1+s13], $0x80, s8, s13, $0xb8;
	[tilespmem:$0x1F000] =	vst v63  }
0x191: {  	_ =	swait.ge [sflag:s17], $0x3200  }
0x192: {  	[sflag:s17] =	ssyncset.done $0x0  }
0x193: {  	[sflag:s17] =	ssyncadd.s32 $0xFFFFCE00  }
0x194: {  	[spmem:s3] =	stream.indirect.scatter.add.f32 [tilespmem:s14], [sflag:$0x4], $0x80, s12, s13, $0xb8;
	[tilespmem:$0x1F000] =	vst v63  }
0x195: {  	_ =	swait.ge [sflag:s11], $0x3200  }
0x196: {  	[sflag:s11] =	ssyncset.done $0x0  }
0x197: {  	s9 =	rddreg [dreg:$0x8];
	[sflag:s11] =	ssyncadd.s32 $0xFFFFCE00  }
0x198: {  	[tilespmem:s14], [sflag:$0x1] =	stream.indirect.gather [hbm4b:s1+s13], $0x80, s9, s13, $0xb8;
	[tilespmem:$0x1F000] =	vst v63  }
0x199: {  	_ =	swait.ge [sflag:s18], $0x3200  }
0x19a: {  	[sflag:s18] =	ssyncset.done $0x0  }
0x19b: {  	s10 =	rddreg [dreg:$0x9];
	[sflag:s18] =	ssyncadd.s32 $0xFFFFCE00  }
0x19c: {  	[spmem:s3] =	stream.indirect.scatter.add.f32 [tilespmem:s15], [sflag:$0x4], $0x80, s10, s13, $0xb8;
	[tilespmem:$0x1F000] =	vst v63  }
0x19d: {  	_ =	swait.ge [sflag:s11], $0x3200  }
0x19e: {  	[sflag:s11] =	ssyncset.done $0x0  }
0x19f: {  	s8 =	rddreg [dreg:$0xa];
	[sflag:s11] =	ssyncadd.s32 $0xFFFFCE00  }
0x1a0: {  	[tilespmem:s15], [sflag:$0x2] =	stream.indirect.gather [hbm4b:s1+s13], $0x80, s8, s13, $0xb8;
	[tilespmem:$0x1F000] =	vst v63  }
0x1a1: {  	_ =	swait.ge [sflag:s19], $0x3200  }
0x1a2: {  	[sflag:s19] =	ssyncset.done $0x0  }
0x1a3: {  	s9 =	rddreg [dreg:$0xb];
	[sflag:s19] =	ssyncadd.s32 $0xFFFFCE00  }
0x1a4: {  	[spmem:s3] =	stream.indirect.scatter.add.f32 [tilespmem:s16], [sflag:$0x4], $0x80, s9, s13, $0xb8;
	[tilespmem:$0x1F000] =	vst v63  }
0x1a5: {  	_ =	swait.ge [sflag:s11], $0x3200  }
0x1a6: {  	[sflag:s11] =	ssyncset.done $0x0  }
0x1a7: {  	s10 =	rddreg [dreg:$0xc];
	[sflag:s11] =	ssyncadd.s32 $0xFFFFCE00  }
0x1a8: {  	[tilespmem:s16], [sflag:$0x3] =	stream.indirect.gather [hbm4b:s1+s13], $0x80, s10, s13, $0xb8;
	[tilespmem:$0x1F000] =	vst v63  }
0x1a9: {  	_ =	swait.ge [sflag:s17], $0x3200  }
0x1aa: {  	[sflag:s17] =	ssyncset.done $0x0  }
0x1ab: {  	s8 =	rddreg [dreg:$0xd];
	[sflag:s17] =	ssyncadd.s32 $0xFFFFCE00  }
0x1ac: {  	[spmem:s3] =	stream.indirect.scatter.add.f32 [tilespmem:s14], [sflag:$0x4], $0x80, s8, s13, $0xb8;
	[tilespmem:$0x1F000] =	vst v63  }
0x1ad: {  	_ =	swait.ge [sflag:s11], $0x3200  }
0x1ae: {  	[sflag:s11] =	ssyncset.done $0x0  }
0x1af: {  	s9 =	rddreg [dreg:$0xe];
	[sflag:s11] =	ssyncadd.s32 $0xFFFFCE00  }
0x1b0: {  	[tilespmem:s14], [sflag:$0x1] =	stream.indirect.gather [hbm4b:s1+s13], $0x80, s9, s13, $0xb8;
	[tilespmem:$0x1F000] =	vst v63  }
0x1b1: {  	_ =	swait.ge [sflag:s18], $0x3200  }
0x1b2: {  	[sflag:s18] =	ssyncset.done $0x0  }
0x1b3: {  	s10 =	rddreg [dreg:$0xf];
	[sflag:s18] =	ssyncadd.s32 $0xFFFFCE00  }
0x1b4: {  	[spmem:s3] =	stream.indirect.scatter.add.f32 [tilespmem:s15], [sflag:$0x4], $0x80, s10, s13, $0xb8;
	[tilespmem:$0x1F000] =	vst v63  }
0x1b5: {  	_ =	swait.ge [sflag:s11], $0x3200  }
0x1b6: {  	[sflag:s11] =	ssyncset.done $0x0  }
0x1b7: {  	s8 =	rddreg [dreg:$0x10];
	[sflag:s11] =	ssyncadd.s32 $0xFFFFCE00  }
0x1b8: {  	[tilespmem:s15], [sflag:$0x2] =	stream.indirect.gather [hbm4b:s1+s13], $0x80, s8, s13, $0xb8;
	[tilespmem:$0x1F000] =	vst v63  }
0x1b9: {  	_ =	swait.ge [sflag:s19], $0x3200  }
0x1ba: {  	[sflag:s19] =	ssyncset.done $0x0  }
0x1bb: {  	s9 =	rddreg [dreg:$0x11];
	[sflag:s19] =	ssyncadd.s32 $0xFFFFCE00  }
0x1bc: {  	[spmem:s3] =	stream.indirect.scatter.add.f32 [tilespmem:s16], [sflag:$0x4], $0x80, s9, s13, $0xb8;
	[tilespmem:$0x1F000] =	vst v63  }
0x1bd: {  	_ =	swait.ge [sflag:s11], $0x3200  }
0x1be: {  	[sflag:s11] =	ssyncset.done $0x0  }
0x1bf: {  	s10 =	rddreg [dreg:$0x12];
	[sflag:s11] =	ssyncadd.s32 $0xFFFFCE00  }
0x1c0: {  	[tilespmem:s16], [sflag:$0x3] =	stream.indirect.gather [hbm4b:s1+s13], $0x80, s10, s13, $0xb8;
	[tilespmem:$0x1F000] =	vst v63  }
0x1c1: {  	_ =	swait.ge [sflag:s17], $0x3200  }
0x1c2: {  	[sflag:s17] =	ssyncset.done $0x0  }
0x1c3: {  	s8 =	rddreg [dreg:$0x13];
	[sflag:s17] =	ssyncadd.s32 $0xFFFFCE00  }
0x1c4: {  	[spmem:s3] =	stream.indirect.scatter.add.f32 [tilespmem:s14], [sflag:$0x4], $0x80, s8, s13, $0xb8;
	[tilespmem:$0x1F000] =	vst v63  }
0x1c5: {  	_ =	swait.ge [sflag:s11], $0x3200  }
0x1c6: {  	[sflag:s11] =	ssyncset.done $0x0  }
0x1c7: {  	s9 =	rddreg [dreg:$0x14];
	[sflag:s11] =	ssyncadd.s32 $0xFFFFCE00  }
0x1c8: {  	[tilespmem:s14], [sflag:$0x1] =	stream.indirect.gather [hbm4b:s1+s13], $0x80, s9, s13, $0xb8;
	[tilespmem:$0x1F000] =	vst v63  }
0x1c9: {  	_ =	swait.ge [sflag:s18], $0x3200  }
0x1ca: {  	[sflag:s18] =	ssyncset.done $0x0  }
0x1cb: {  	s10 =	rddreg [dreg:$0x15];
	[sflag:s18] =	ssyncadd.s32 $0xFFFFCE00  }
0x1cc: {  	[spmem:s3] =	stream.indirect.scatter.add.f32 [tilespmem:s15], [sflag:$0x4], $0x80, s10, s13, $0xb8;
	[tilespmem:$0x1F000] =	vst v63  }
0x1cd: {  	_ =	swait.ge [sflag:s11], $0x3200  }
0x1ce: {  	[sflag:s11] =	ssyncset.done $0x0  }
0x1cf: {  	s8 =	rddreg [dreg:$0x16];
	[sflag:s11] =	ssyncadd.s32 $0xFFFFCE00  }
0x1d0: {  	[tilespmem:s15], [sflag:$0x2] =	stream.indirect.gather [hbm4b:s1+s13], $0x80, s8, s13, $0xb8;
	[tilespmem:$0x1F000] =	vst v63  }
0x1d1: {  	_ =	swait.ge [sflag:s19], $0x3200  }
0x1d2: {  	[sflag:s19] =	ssyncset.done $0x0  }
0x1d3: {  	s9 =	rddreg [dreg:$0x17];
	[sflag:s19] =	ssyncadd.s32 $0xFFFFCE00  }
0x1d4: {  	[spmem:s3] =	stream.indirect.scatter.add.f32 [tilespmem:s16], [sflag:$0x4], $0x80, s9, s13, $0xb8;
	[tilespmem:$0x1F000] =	vst v63  }
0x1d5: {  	_ =	swait.ge [sflag:s11], $0x3200  }
0x1d6: {  	[sflag:s11] =	ssyncset.done $0x0  }
0x1d7: {  	s10 =	rddreg [dreg:$0x18];
	[sflag:s11] =	ssyncadd.s32 $0xFFFFCE00  }
0x1d8: {  	[tilespmem:s16], [sflag:$0x3] =	stream.indirect.gather [hbm4b:s1+s13], $0x80, s10, s13, $0xb8;
	[tilespmem:$0x1F000] =	vst v63  }
0x1d9: {  	_ =	swait.ge [sflag:s17], $0x3200  }
0x1da: {  	[sflag:s17] =	ssyncset.done $0x0  }
0x1db: {  	s8 =	rddreg [dreg:$0x19];
	[sflag:s17] =	ssyncadd.s32 $0xFFFFCE00  }
0x1dc: {  	[spmem:s3] =	stream.indirect.scatter.add.f32 [tilespmem:s14], [sflag:$0x4], $0x80, s8, s13, $0xb8;
	[tilespmem:$0x1F000] =	vst v63  }
0x1dd: {  	_ =	swait.ge [sflag:s11], $0x3200  }
0x1de: {  	[sflag:s11] =	ssyncset.done $0x0  }
0x1df: {  	s9 =	rddreg [dreg:$0x1a];
	[sflag:s11] =	ssyncadd.s32 $0xFFFFCE00  }
0x1e0: {  	[tilespmem:s14], [sflag:$0x1] =	stream.indirect.gather [hbm4b:s1+s13], $0x80, s9, s13, $0xb8;
	[tilespmem:$0x1F000] =	vst v63  }
0x1e1: {  	_ =	swait.ge [sflag:s18], $0x3200  }
0x1e2: {  	[sflag:s18] =	ssyncset.done $0x0  }
0x1e3: {  	s10 =	rddreg [dreg:$0x1b];
	[sflag:s18] =	ssyncadd.s32 $0xFFFFCE00  }
0x1e4: {  	[spmem:s3] =	stream.indirect.scatter.add.f32 [tilespmem:s15], [sflag:$0x4], $0x80, s10, s13, $0xb8;
	[tilespmem:$0x1F000] =	vst v63  }
0x1e5: {  	_ =	swait.ge [sflag:s11], $0x3200  }
0x1e6: {  	[sflag:s11] =	ssyncset.done $0x0  }
0x1e7: {  	s8 =	rddreg [dreg:$0x1c];
	[sflag:s11] =	ssyncadd.s32 $0xFFFFCE00  }
0x1e8: {  	[tilespmem:s15], [sflag:$0x2] =	stream.indirect.gather [hbm4b:s1+s13], $0x80, s8, s13, $0xb8;
	[tilespmem:$0x1F000] =	vst v63  }
0x1e9: {  	_ =	swait.ge [sflag:s19], $0x3200  }
0x1ea: {  	[sflag:s19] =	ssyncset.done $0x0  }
0x1eb: {  	s9 =	rddreg [dreg:$0x1d];
	[sflag:s19] =	ssyncadd.s32 $0xFFFFCE00  }
0x1ec: {  	[spmem:s3] =	stream.indirect.scatter.add.f32 [tilespmem:s16], [sflag:$0x4], $0x80, s9, s13, $0xb8;
	[tilespmem:$0x1F000] =	vst v63  }
0x1ed: {  	_ =	swait.ge [sflag:s11], $0x3200  }
0x1ee: {  	[sflag:s11] =	ssyncset.done $0x0  }
0x1ef: {  	[sflag:s11] =	ssyncadd.s32 $0xFFFFCE00  }
0x1f0: {  	[tilespmem:s16], [sflag:$0x3] =	stream.indirect.gather [hbm4b:s1+s13], $0x80, s20, s13, $0xb8;
	[tilespmem:$0x1F000] =	vst v63  }
0x1f1: {  	_ =	swait.ge [sflag:s17], $0x3200  }
0x1f2: {  	[sflag:s17] =	ssyncset.done $0x0  }
0x1f3: {  	[sflag:s17] =	ssyncadd.s32 $0xFFFFCE00  }
0x1f4: {  	[spmem:s3] =	stream.indirect.scatter.add.f32 [tilespmem:s14], [sflag:$0x4], $0x80, s21, s13, $0xb8;
	[tilespmem:$0x1F000] =	vst v63  }
0x1f5: {  	_ =	swait.ge [sflag:s11], $0x3200  }
0x1f6: {  	[sflag:s11] =	ssyncset.done $0x0  }
0x1f7: {  	[sflag:s11] =	ssyncadd.s32 $0xFFFFCE00  }
0x1f8: {  	[tilespmem:s14], [sflag:$0x1] =	stream.indirect.gather [hbm4b:s1+s13], $0x80, s22, s13, $0xb8;
	[tilespmem:$0x1F000] =	vst v63  }
0x1f9: {  	_ =	swait.ge [sflag:s18], $0x3200  }
0x1fa: {  	[sflag:s18] =	ssyncset.done $0x0  }
0x1fb: {  	[sflag:s18] =	ssyncadd.s32 $0xFFFFCE00  }
0x1fc: {  	[spmem:s3] =	stream.indirect.scatter.add.f32 [tilespmem:s15], [sflag:$0x4], $0x80, s23, s13, $0xb8;
	[tilespmem:$0x1F000] =	vst v63  }
0x1fd: {  	_ =	swait.ge [sflag:s11], $0x3200  }
0x1fe: {  	[sflag:s11] =	ssyncset.done $0x0  }
0x1ff: {  	[sflag:s11] =	ssyncadd.s32 $0xFFFFCE00  }
0x200: {  	[tilespmem:s15], [sflag:$0x2] =	stream.indirect.gather [hbm4b:s1+s13], $0x80, s24, s13, $0xb8;
	[tilespmem:$0x1F000] =	vst v63  }
0x201: {  	_ =	swait.ge [sflag:s19], $0x3200  }
0x202: {  	[sflag:s19] =	ssyncset.done $0x0  }
0x203: {  	[sflag:s19] =	ssyncadd.s32 $0xFFFFCE00  }
0x204: {  	[spmem:s3] =	stream.indirect.scatter.add.f32 [tilespmem:s16], [sflag:$0x4], $0x80, s25, s13, $0xb8;
	[tilespmem:$0x1F000] =	vst v63  }
0x205: {  	_ =	swait.ge [sflag:s11], $0x3200  }
0x206: {  	[sflag:s11] =	ssyncset.done $0x0  }
0x207: {  	[sflag:s11] =	ssyncadd.s32 $0xFFFFCE00  }
0x208: {  	[tilespmem:s16], [sflag:$0x3] =	stream.indirect.gather [hbm4b:s1+s13], $0x80, s26, s13, $0xb8;
	[tilespmem:$0x1F000] =	vst v63  }
0x209: {  	_ =	swait.ge [sflag:s17], $0x3200  }
0x20a: {  	[sflag:s17] =	ssyncset.done $0x0  }
0x20b: {  	[sflag:s17] =	ssyncadd.s32 $0xFFFFCE00  }
0x20c: {  	[spmem:s3] =	stream.indirect.scatter.add.f32 [tilespmem:s14], [sflag:$0x4], $0x80, s28, s13, $0xb8;
	[tilespmem:$0x1F000] =	vst v63  }
0x20d: {  	_ =	swait.ge [sflag:s11], $0x3200  }
0x20e: {  	[sflag:s11] =	ssyncset.done $0x0  }
0x20f: {  	[sflag:s11] =	ssyncadd.s32 $0xFFFFCE00  }
0x210: {  	[tilespmem:s14], [sflag:$0x1] =	stream.indirect.gather [hbm4b:s1+s13], $0x80, s29, s13, $0xb8;
	[tilespmem:$0x1F000] =	vst v63  }
0x211: {  	_ =	swait.ge [sflag:s18], $0x3200  }
0x212: {  	[sflag:s18] =	ssyncset.done $0x0  }
0x213: {  	[sflag:s18] =	ssyncadd.s32 $0xFFFFCE00  }
0x214: {  	[spmem:s3] =	stream.indirect.scatter.add.f32 [tilespmem:s15], [sflag:$0x4], $0x80, s30, s13, $0xb8;
	[tilespmem:$0x1F000] =	vst v63  }
0x215: {  	_ =	swait.ge [sflag:s11], $0x3200  }
0x216: {  	[sflag:s11] =	ssyncset.done $0x0  }
0x217: {  	[sflag:s11] =	ssyncadd.s32 $0xFFFFCE00  }
0x218: {  	[tilespmem:s15], [sflag:$0x2] =	stream.indirect.gather [hbm4b:s1+s13], $0x80, s31, s13, $0xb8;
	[tilespmem:$0x1F000] =	vst v63  }
0x219: {  	_ =	swait.ge [sflag:s19], $0x3200  }
0x21a: {  	[sflag:s19] =	ssyncset.done $0x0  }
0x21b: {  	[sflag:s19] =	ssyncadd.s32 $0xFFFFCE00  }
0x21c: {  	[spmem:s3] =	stream.indirect.scatter.add.f32 [tilespmem:s16], [sflag:$0x4], $0x80, s2, s13, $0xb8;
	[tilespmem:$0x1F000] =	vst v63  }
0x21d: {  	_ =	swait.ge [sflag:s11], $0x3200  }
0x21e: {  	[sflag:s11] =	ssyncset.done $0x0  }
0x21f: {  	[sflag:s11] =	ssyncadd.s32 $0xFFFFCE00  }
0x220: {  	_ =	swait.ge [sflag:s17], $0x3200  }
0x221: {  	[sflag:s17] =	ssyncset.done $0x0  }
0x222: {  	[sflag:s17] =	ssyncadd.s32 $0xFFFFCE00  }
0x223: {  	[spmem:s3] =	stream.indirect.scatter.add.f32 [tilespmem:s14], [sflag:$0x4], $0x80, s0, s13, $0xb8;
	[tilespmem:$0x1F000] =	vst v63  }
0x224: {  	_ =	swait.ge [sflag:s11], $0x3200  }
0x225: {  	[sflag:s11] =	ssyncset.done $0x0  }
0x226: {  	[sflag:s11] =	ssyncadd.s32 $0xFFFFCE00  }
0x227: {  	_ =	swait.ge [sflag:s18], $0x3200  }
0x228: {  	[sflag:s18] =	ssyncset.done $0x0  }
0x229: {  	[sflag:s18] =	ssyncadd.s32 $0xFFFFCE00  }
0x22a: {  	[spmem:s3] =	stream.indirect.scatter.add.f32 [tilespmem:s15], [sflag:$0x4], $0x80, s6, s13, $0xb8;
	[tilespmem:$0x1F000] =	vst v63  }
0x22b: {  	_ =	swait.ge [sflag:s11], $0x3200  }
0x22c: {  	[sflag:s11] =	ssyncset.done $0x0  }
0x22d: {  	[sflag:s11] =	ssyncadd.s32 $0xFFFFCE00  }
0x22e: {  	[bflag:$0x0] =	sbarrier.arrive $0xFFFF  }
0x22f: {  	s10 =	sld [smem:$0x7FB]  }
0x230: {  	s8 =	sld [smem:$0x7FD];
	_ =	sdelay $0x1  }
0x231: {  	s9 =	rddreg [dreg:$0x1f]  }
0x232: {  	[hbm:s10], [sflag:s9] =	dma.local [spmem:s8], $0x2780  }
0x233: {  	_ =	swait.ge [sflag:s11], $0x2780  }
0x234: {  	s7 =	sld [smem:$0x7FA];
	_ =	sdelay $0x2  }
0x235: {  	s10 =	sadd.s32 $0x1, s7;
	s7 =	sld [smem:$0x7FC];
	_ =	sdelay $0x2  }
0x236: {  	p0 =	sne.s32 s10, s7  }
.Ltmp1:
0x237: {  	_ = 	snop;
	(pc) =	sbr.rel @p0 .LBB2_1-.Ltmp1, $3  }
0x238: {  	_ =	sdelay $0x1  }
0x239: {  	[sflag:s11] =	ssyncset.done $0x0  }
0x23a: {  	[sflag:s11] =	ssyncadd.s32 $0xFFFFD880  }
0x23b: {  	_ =	sfence.sel $0x180000  }
0x23c: {  	[bflag:$0x0] =	sbarrier.arrive $0xFFFF  }
0x23d: {  	_ =	strace $0x90000047  }
0x23e: {  	s0 =	stileid.u32;
	[bflag:$0x2] =	sbarrier.arrive $0xFFFF  }
0x23f: {  	p0 =	sne.s32 s0, $0x0;
	s0 =	rddreg [dreg:$0x4]  }
0x240: {  	s0 =	sadd.s32 @!p0 $0x100000, s0  }
0x241: {  	[sflag:s0] =	ssyncadd.tile.s32 @!p0 $0x1;
	_ =	shalt  }
.Lfunc_end2:
_tile_overlayer_lowered:
.L_overlay_start_2:
0x242: {  	(tag) =	ssettag $0x2  }
0x243: {  	s0 =	rddreg [dreg:$0x0];
	s2 =	stileid.u32  }
0x244: {  	s1 =	rddreg [dreg:$0x1];
	p0 =	sne.s32 s2, $0x0  }
0x245: {  	s3 =	rddreg [dreg:$0x2];
	[bflag:$0x3] =	sbarrier.arrive $0xFFFF;
	s2 =	simm.s32 @!p0 $0x1C04  }
0x246: {  	[timem:s3], [sflag:s2] =	dma.local @!p0 [hbm:s0], s1  }
0x247: {  	s0 =	simm.s32 @!p0 $0x4  }
0x248: {  	_ =	swait.ge @!p0 [sflag:s0], s1  }
0x249: {  	s1 =	ssub.s32 @!p0 $0x0, s1;
	[sflag:s0] =	ssyncset.done @!p0 $0x0  }
0x24a: {  	[sflag:s0] =	ssyncadd.s32 @!p0 s1  }
0x24b: {  	[bflag:$0x3] =	sbarrier.arrive $0xFFFF  }
0x24c: {  	_ =	shalt  }

</sc_bundles>
